<compile_context>
chip_gen: v7x
topology: tpu7x:2x2x1
jax: 0.10.2.dev20260603
libtpu: 0.0.44.dev20260713+nightly
codegen_flags: <defaults>
</compile_context>

<pallas_src>
import functools
import jax
import jax.numpy as jnp
from jax import lax
from jax.experimental import pallas as pl
from jax.experimental.pallas import tpu as pltpu
from jax.experimental.pallas import tpu_sc as plsc

_BN = 256


def _logits_kernel(x_ref, wg_ref, lt_ref):
    lt = jax.lax.dot_general(
        wg_ref[...], x_ref[...], (((1,), (1,)), ((), ())),
        preferred_element_type=jnp.float32,
    )
    lt_ref[...] = jnp.maximum(lt, 0.0)


def _make_sc_routing(n, e):
    info = plsc.get_sparse_core_info()
    nw = info.num_cores * info.num_subcores
    tpw = n // nw
    ngrp = tpw // 16
    mesh = plsc.VectorSubcoreMesh(core_axis_name="c", subcore_axis_name="s")

    @functools.partial(
        pl.kernel,
        mesh=mesh,
        out_type=jax.ShapeDtypeStruct((e * n,), jnp.float32),
        scratch_types=[
            pltpu.VMEM((e * tpw,), jnp.float32),
            pltpu.VMEM((e * tpw,), jnp.float32),
        ],
    )
    def sc_routing(lt_hbm, out_hbm, lbuf, obuf):
        wid = lax.axis_index("s") * info.num_cores + lax.axis_index("c")
        base = wid * tpw
        for ei in range(e):
            pltpu.sync_copy(lt_hbm.at[pl.ds(ei * n + base, tpw)],
                            lbuf.at[pl.ds(ei * tpw, tpw)])
        for g in range(ngrp):
            logit = [lbuf[pl.ds(ei * tpw + g * 16, 16)] for ei in range(e)]
            mx = logit[0]
            for ei in range(1, e):
                mx = jnp.maximum(mx, logit[ei])
            p = [jnp.exp(logit[ei] - mx) for ei in range(e)]
            m1 = p[0]
            for ei in range(1, e):
                m1 = jnp.maximum(m1, p[ei])
            big = jnp.full((16,), e, dtype=jnp.int32)
            i1 = big
            for ei in range(e):
                cand = jnp.where(p[ei] == m1,
                                 jnp.full((16,), ei, dtype=jnp.int32), big)
                i1 = jnp.minimum(i1, cand)
            neg = jnp.full((16,), -jnp.inf, dtype=jnp.float32)
            p2 = [jnp.where(i1 == ei, neg, p[ei]) for ei in range(e)]
            m2 = p2[0]
            for ei in range(1, e):
                m2 = jnp.maximum(m2, p2[ei])
            i2 = big
            for ei in range(e):
                cand = jnp.where(p2[ei] == m2,
                                 jnp.full((16,), ei, dtype=jnp.int32), big)
                i2 = jnp.minimum(i2, cand)
            s = m1 + m2
            c1 = m1 / s
            c2 = m2 / s
            zero = jnp.zeros((16,), jnp.float32)
            for ei in range(e):
                cei = jnp.where(i1 == ei, c1, jnp.where(i2 == ei, c2, zero))
                obuf[pl.ds(ei * tpw + g * 16, 16)] = cei
        for ei in range(e):
            pltpu.sync_copy(obuf.at[pl.ds(ei * tpw, tpw)],
                            out_hbm.at[pl.ds(ei * n + base, tpw)])

    return sc_routing


def _experts_kernel(x_ref, cb_ref, w1_ref, w2_ref, o_ref):
    x = x_ref[...]
    combine = jnp.transpose(cb_ref[...])
    e = combine.shape[1]
    acc = jnp.zeros((x.shape[0], o_ref.shape[1]), jnp.float32)
    for ei in range(e):
        z1 = jnp.dot(x, w1_ref[ei], preferred_element_type=jnp.float32)
        h = jnp.maximum(z1, 0.0)
        y = jnp.dot(h, w2_ref[ei], preferred_element_type=jnp.float32)
        acc = acc + jnp.maximum(y, 0.0) * combine[:, ei][:, None]
    o_ref[...] = acc


@jax.jit
def kernel(x, Wg, W1, b1, W2, b2):
    n, d = x.shape
    e = Wg.shape[0]
    h = W1.shape[2]
    out = W2.shape[2]
    grid = (n // _BN,)
    lt = pl.pallas_call(
        _logits_kernel,
        grid=grid,
        in_specs=[
            pl.BlockSpec((_BN, d), lambda i: (i, 0)),
            pl.BlockSpec((e, d), lambda i: (0, 0)),
        ],
        out_specs=pl.BlockSpec((e, _BN), lambda i: (0, i)),
        out_shape=jax.ShapeDtypeStruct((e, n), jnp.float32),
    )(x, Wg)
    combine = _make_sc_routing(n, e)(lt.reshape(e * n)).reshape(e, n)
    return pl.pallas_call(
        _experts_kernel,
        grid=grid,
        in_specs=[
            pl.BlockSpec((_BN, d), lambda i: (i, 0)),
            pl.BlockSpec((e, _BN), lambda i: (0, i)),
            pl.BlockSpec((e, d, h), lambda i: (0, 0, 0)),
            pl.BlockSpec((e, h, out), lambda i: (0, 0, 0)),
        ],
        out_specs=pl.BlockSpec((_BN, out), lambda i: (i, 0)),
        out_shape=jax.ShapeDtypeStruct((n, out), jnp.float32),
    )(x, combine, W1, W2)

# --- scband reference (transcript-rebuilt; emitter-appended) ---
"""Pipeline reference for scband-mo-e-29738353558256 (READ-ONLY COPY).

The authoritative reference and input builder live on the scoring server;
editing this copy changes nothing except your own understanding.
"""

import jax, jax.numpy as jnp
import numpy as np

N, D, OUT, E, H, TOPK = 2048, 768, 768, 8, 128, 2

def setup_inputs(seed: int = 0) -> dict:
    key = jax.random.key(seed)
    ks = jax.random.split(key, 6)
    x = jax.random.normal(ks[0], (N, D), dtype=jnp.float32)
    Wg = jax.random.normal(ks[1], (E, D), dtype=jnp.float32) * 0.02
    W1 = jax.random.normal(ks[2], (E, D, H), dtype=jnp.float32) * 0.02
    b1 = jnp.zeros((E, H), dtype=jnp.float32)
    W2 = jax.random.normal(ks[3], (E, H, OUT), dtype=jnp.float32) * 0.02
    b2 = jnp.zeros((E, OUT), dtype=jnp.float32)
    return {"x": x, "Wg": Wg, "W1": W1, "b1": b1, "W2": W2, "b2": b2}

def reference(x, Wg, W1, b1, W2, b2):
    # gate: Linear(in_dim, n_experts, bias=False) followed by ReLU (lin() applies act)
    logits = jax.nn.relu(x @ Wg.T)
    probs = jax.nn.softmax(logits, axis=1)
    top_p, sel = jax.lax.top_k(probs, TOPK)
    top_p = top_p / jnp.sum(top_p, axis=-1, keepdims=True)
    n = x.shape[0]
    e = Wg.shape[0]
    # combine weights: zero except normalized prob at selected experts
    combine = jnp.zeros((n, e), dtype=x.dtype).at[jnp.arange(n)[:, None], sel].set(top_p)
    # each expert: Linear(D,H)+ReLU then Linear(H,OUT)+ReLU (mlp with n_hidden=1, ReLU after every layer)
    h = jax.nn.relu(jnp.einsum('nd,edh->neh', x, W1) + b1[None, :, :])
    y = jax.nn.relu(jnp.einsum('neh,eho->neo', h, W2) + b2[None, :, :])
    # weighted sum over experts (equivalent to index_add_ of masked expert outputs)
    out = jnp.einsum('ne,neo->no', combine, y)
    return out

if __name__ == "__main__":
    import jax
    _d = setup_inputs()
    print(jax.jit(kernel)(*tuple(_d.values())))

</pallas_src>

<mosaic_0001>
#map = affine_map<(d0, d1) -> (0)>
module attributes {stable_mosaic.version = 14 : i64} {
  func.func @sc_routing(%arg0: i32, %arg1: i32, %arg2: memref<16384xf32, #tpu.memory_space<hbm>>, %arg3: memref<16384xf32, #tpu.memory_space<hbm>>, %arg4: memref<512xf32, #tpu.memory_space<vmem>>, %arg5: memref<512xf32, #tpu.memory_space<vmem>>) attributes {dimension_semantics = [#tpu.dimension_semantics<core_parallel>, #tpu.dimension_semantics<subcore_parallel>], iteration_bounds = array<i64: 2, 16>, scalar_prefetch = 0 : i64, scratch_operands = 2 : i64, tpu.core_type = #tpu.core_type<sc_vector_subcore>, window_params = [{transform_indices = #map}, {transform_indices = #map}]} {
    %mul3A = arith.constant 2 : i32
    %mul3A_0 = arith.muli %arg1, %mul3A : i32
    %add3A = arith.addi %mul3A_0, %arg0 : i32
    %mul3A_1 = arith.constant 64 : i32
    %mul3A_2 = arith.muli %add3A, %mul3A_1 : i32
    %add3A_3 = arith.constant 0 : i32
    %add3A_4 = arith.addi %add3A_3, %mul3A_2 : i32
    "tpu.region"() ({
      %run_scoped3A = tpu.sem_alloc : memref<!tpu.dma_semaphore, #tpu.memory_space<semaphore_mem>>
      %dma_start3A = arith.constant 0 : i32
      %dma_start3A_1137 = tpu.memref_slice %arg4[%dma_start3A] : memref<512xf32, #tpu.memory_space<vmem>> -> memref<64xf32, #tpu.memory_space<vmem>>
      %dma_start3A_1138 = tpu.memref_slice %arg2[%add3A_4] : memref<16384xf32, #tpu.memory_space<hbm>> -> memref<64xf32, #tpu.memory_space<hbm>>
      %dma_start3A_1139 = arith.constant 0 : i32
      %dma_start3A_1140 = tpu.memref_slice %arg4[%dma_start3A_1139] : memref<512xf32, #tpu.memory_space<vmem>> -> memref<64xf32, #tpu.memory_space<vmem>>
      %dma_start3A_1141 = tpu.memref_slice %arg2[%add3A_4] : memref<16384xf32, #tpu.memory_space<hbm>> -> memref<64xf32, #tpu.memory_space<hbm>>
      tpu.enqueue_dma source(%dma_start3A_1141 : memref<64xf32, #tpu.memory_space<hbm>>) target(%dma_start3A_1140 : memref<64xf32, #tpu.memory_space<vmem>>) target_semaphore(%run_scoped3A : memref<!tpu.dma_semaphore, #tpu.memory_space<semaphore_mem>>)
      %dma_wait3A = arith.constant 0 : i32
      %dma_wait3A_1142 = tpu.memref_slice %arg4[%dma_wait3A] : memref<512xf32, #tpu.memory_space<vmem>> -> memref<64xf32, #tpu.memory_space<vmem>>
      %dma_wait3A_1143 = tpu.memref_slice %arg2[%add3A_4] : memref<16384xf32, #tpu.memory_space<hbm>> -> memref<64xf32, #tpu.memory_space<hbm>>
      %dma_wait3A_1144 = arith.constant 0 : i32
      %dma_wait3A_1145 = tpu.memref_slice %arg4[%dma_wait3A_1144] : memref<512xf32, #tpu.memory_space<vmem>> -> memref<64xf32, #tpu.memory_space<vmem>>
      %dma_wait3A_1146 = tpu.memref_slice %arg2[%add3A_4] : memref<16384xf32, #tpu.memory_space<hbm>> -> memref<64xf32, #tpu.memory_space<hbm>>
      tpu.wait_dma2 semaphore(%run_scoped3A : memref<!tpu.dma_semaphore, #tpu.memory_space<semaphore_mem>>) src(%dma_wait3A_1146 : memref<64xf32, #tpu.memory_space<hbm>>) dst(%dma_wait3A_1145 : memref<64xf32, #tpu.memory_space<vmem>>)
      tpu.yield
    }) : () -> ()
    %add3A_5 = arith.constant 2048 : i32
    %add3A_6 = arith.addi %add3A_5, %mul3A_2 : i32
    "tpu.region"() ({
      %run_scoped3A = tpu.sem_alloc : memref<!tpu.dma_semaphore, #tpu.memory_space<semaphore_mem>>
      %dma_start3A = arith.constant 64 : i32
      %dma_start3A_1137 = tpu.memref_slice %arg4[%dma_start3A] : memref<512xf32, #tpu.memory_space<vmem>> -> memref<64xf32, #tpu.memory_space<vmem>>
      %dma_start3A_1138 = tpu.memref_slice %arg2[%add3A_6] : memref<16384xf32, #tpu.memory_space<hbm>> -> memref<64xf32, #tpu.memory_space<hbm>>
      %dma_start3A_1139 = arith.constant 64 : i32
      %dma_start3A_1140 = tpu.memref_slice %arg4[%dma_start3A_1139] : memref<512xf32, #tpu.memory_space<vmem>> -> memref<64xf32, #tpu.memory_space<vmem>>
      %dma_start3A_1141 = tpu.memref_slice %arg2[%add3A_6] : memref<16384xf32, #tpu.memory_space<hbm>> -> memref<64xf32, #tpu.memory_space<hbm>>
      tpu.enqueue_dma source(%dma_start3A_1141 : memref<64xf32, #tpu.memory_space<hbm>>) target(%dma_start3A_1140 : memref<64xf32, #tpu.memory_space<vmem>>) target_semaphore(%run_scoped3A : memref<!tpu.dma_semaphore, #tpu.memory_space<semaphore_mem>>)
      %dma_wait3A = arith.constant 64 : i32
      %dma_wait3A_1142 = tpu.memref_slice %arg4[%dma_wait3A] : memref<512xf32, #tpu.memory_space<vmem>> -> memref<64xf32, #tpu.memory_space<vmem>>
      %dma_wait3A_1143 = tpu.memref_slice %arg2[%add3A_6] : memref<16384xf32, #tpu.memory_space<hbm>> -> memref<64xf32, #tpu.memory_space<hbm>>
      %dma_wait3A_1144 = arith.constant 64 : i32
      %dma_wait3A_1145 = tpu.memref_slice %arg4[%dma_wait3A_1144] : memref<512xf32, #tpu.memory_space<vmem>> -> memref<64xf32, #tpu.memory_space<vmem>>
      %dma_wait3A_1146 = tpu.memref_slice %arg2[%add3A_6] : memref<16384xf32, #tpu.memory_space<hbm>> -> memref<64xf32, #tpu.memory_space<hbm>>
      tpu.wait_dma2 semaphore(%run_scoped3A : memref<!tpu.dma_semaphore, #tpu.memory_space<semaphore_mem>>) src(%dma_wait3A_1146 : memref<64xf32, #tpu.memory_space<hbm>>) dst(%dma_wait3A_1145 : memref<64xf32, #tpu.memory_space<vmem>>)
      tpu.yield
    }) : () -> ()
    %add3A_7 = arith.constant 4096 : i32
    %add3A_8 = arith.addi %add3A_7, %mul3A_2 : i32
    "tpu.region"() ({
      %run_scoped3A = tpu.sem_alloc : memref<!tpu.dma_semaphore, #tpu.memory_space<semaphore_mem>>
      %dma_start3A = arith.constant 128 : i32
      %dma_start3A_1137 = tpu.memref_slice %arg4[%dma_start3A] : memref<512xf32, #tpu.memory_space<vmem>> -> memref<64xf32, #tpu.memory_space<vmem>>
      %dma_start3A_1138 = tpu.memref_slice %arg2[%add3A_8] : memref<16384xf32, #tpu.memory_space<hbm>> -> memref<64xf32, #tpu.memory_space<hbm>>
      %dma_start3A_1139 = arith.constant 128 : i32
      %dma_start3A_1140 = tpu.memref_slice %arg4[%dma_start3A_1139] : memref<512xf32, #tpu.memory_space<vmem>> -> memref<64xf32, #tpu.memory_space<vmem>>
      %dma_start3A_1141 = tpu.memref_slice %arg2[%add3A_8] : memref<16384xf32, #tpu.memory_space<hbm>> -> memref<64xf32, #tpu.memory_space<hbm>>
      tpu.enqueue_dma source(%dma_start3A_1141 : memref<64xf32, #tpu.memory_space<hbm>>) target(%dma_start3A_1140 : memref<64xf32, #tpu.memory_space<vmem>>) target_semaphore(%run_scoped3A : memref<!tpu.dma_semaphore, #tpu.memory_space<semaphore_mem>>)
      %dma_wait3A = arith.constant 128 : i32
      %dma_wait3A_1142 = tpu.memref_slice %arg4[%dma_wait3A] : memref<512xf32, #tpu.memory_space<vmem>> -> memref<64xf32, #tpu.memory_space<vmem>>
      %dma_wait3A_1143 = tpu.memref_slice %arg2[%add3A_8] : memref<16384xf32, #tpu.memory_space<hbm>> -> memref<64xf32, #tpu.memory_space<hbm>>
      %dma_wait3A_1144 = arith.constant 128 : i32
      %dma_wait3A_1145 = tpu.memref_slice %arg4[%dma_wait3A_1144] : memref<512xf32, #tpu.memory_space<vmem>> -> memref<64xf32, #tpu.memory_space<vmem>>
      %dma_wait3A_1146 = tpu.memref_slice %arg2[%add3A_8] : memref<16384xf32, #tpu.memory_space<hbm>> -> memref<64xf32, #tpu.memory_space<hbm>>
      tpu.wait_dma2 semaphore(%run_scoped3A : memref<!tpu.dma_semaphore, #tpu.memory_space<semaphore_mem>>) src(%dma_wait3A_1146 : memref<64xf32, #tpu.memory_space<hbm>>) dst(%dma_wait3A_1145 : memref<64xf32, #tpu.memory_space<vmem>>)
      tpu.yield
    }) : () -> ()
    %add3A_9 = arith.constant 6144 : i32
    %add3A_10 = arith.addi %add3A_9, %mul3A_2 : i32
    "tpu.region"() ({
      %run_scoped3A = tpu.sem_alloc : memref<!tpu.dma_semaphore, #tpu.memory_space<semaphore_mem>>
      %dma_start3A = arith.constant 192 : i32
      %dma_start3A_1137 = tpu.memref_slice %arg4[%dma_start3A] : memref<512xf32, #tpu.memory_space<vmem>> -> memref<64xf32, #tpu.memory_space<vmem>>
      %dma_start3A_1138 = tpu.memref_slice %arg2[%add3A_10] : memref<16384xf32, #tpu.memory_space<hbm>> -> memref<64xf32, #tpu.memory_space<hbm>>
      %dma_start3A_1139 = arith.constant 192 : i32
      %dma_start3A_1140 = tpu.memref_slice %arg4[%dma_start3A_1139] : memref<512xf32, #tpu.memory_space<vmem>> -> memref<64xf32, #tpu.memory_space<vmem>>
      %dma_start3A_1141 = tpu.memref_slice %arg2[%add3A_10] : memref<16384xf32, #tpu.memory_space<hbm>> -> memref<64xf32, #tpu.memory_space<hbm>>
      tpu.enqueue_dma source(%dma_start3A_1141 : memref<64xf32, #tpu.memory_space<hbm>>) target(%dma_start3A_1140 : memref<64xf32, #tpu.memory_space<vmem>>) target_semaphore(%run_scoped3A : memref<!tpu.dma_semaphore, #tpu.memory_space<semaphore_mem>>)
      %dma_wait3A = arith.constant 192 : i32
      %dma_wait3A_1142 = tpu.memref_slice %arg4[%dma_wait3A] : memref<512xf32, #tpu.memory_space<vmem>> -> memref<64xf32, #tpu.memory_space<vmem>>
      %dma_wait3A_1143 = tpu.memref_slice %arg2[%add3A_10] : memref<16384xf32, #tpu.memory_space<hbm>> -> memref<64xf32, #tpu.memory_space<hbm>>
      %dma_wait3A_1144 = arith.constant 192 : i32
      %dma_wait3A_1145 = tpu.memref_slice %arg4[%dma_wait3A_1144] : memref<512xf32, #tpu.memory_space<vmem>> -> memref<64xf32, #tpu.memory_space<vmem>>
      %dma_wait3A_1146 = tpu.memref_slice %arg2[%add3A_10] : memref<16384xf32, #tpu.memory_space<hbm>> -> memref<64xf32, #tpu.memory_space<hbm>>
      tpu.wait_dma2 semaphore(%run_scoped3A : memref<!tpu.dma_semaphore, #tpu.memory_space<semaphore_mem>>) src(%dma_wait3A_1146 : memref<64xf32, #tpu.memory_space<hbm>>) dst(%dma_wait3A_1145 : memref<64xf32, #tpu.memory_space<vmem>>)
      tpu.yield
    }) : () -> ()
    %add3A_11 = arith.constant 8192 : i32
    %add3A_12 = arith.addi %add3A_11, %mul3A_2 : i32
    "tpu.region"() ({
      %run_scoped3A = tpu.sem_alloc : memref<!tpu.dma_semaphore, #tpu.memory_space<semaphore_mem>>
      %dma_start3A = arith.constant 256 : i32
      %dma_start3A_1137 = tpu.memref_slice %arg4[%dma_start3A] : memref<512xf32, #tpu.memory_space<vmem>> -> memref<64xf32, #tpu.memory_space<vmem>>
      %dma_start3A_1138 = tpu.memref_slice %arg2[%add3A_12] : memref<16384xf32, #tpu.memory_space<hbm>> -> memref<64xf32, #tpu.memory_space<hbm>>
      %dma_start3A_1139 = arith.constant 256 : i32
      %dma_start3A_1140 = tpu.memref_slice %arg4[%dma_start3A_1139] : memref<512xf32, #tpu.memory_space<vmem>> -> memref<64xf32, #tpu.memory_space<vmem>>
      %dma_start3A_1141 = tpu.memref_slice %arg2[%add3A_12] : memref<16384xf32, #tpu.memory_space<hbm>> -> memref<64xf32, #tpu.memory_space<hbm>>
      tpu.enqueue_dma source(%dma_start3A_1141 : memref<64xf32, #tpu.memory_space<hbm>>) target(%dma_start3A_1140 : memref<64xf32, #tpu.memory_space<vmem>>) target_semaphore(%run_scoped3A : memref<!tpu.dma_semaphore, #tpu.memory_space<semaphore_mem>>)
      %dma_wait3A = arith.constant 256 : i32
      %dma_wait3A_1142 = tpu.memref_slice %arg4[%dma_wait3A] : memref<512xf32, #tpu.memory_space<vmem>> -> memref<64xf32, #tpu.memory_space<vmem>>
      %dma_wait3A_1143 = tpu.memref_slice %arg2[%add3A_12] : memref<16384xf32, #tpu.memory_space<hbm>> -> memref<64xf32, #tpu.memory_space<hbm>>
      %dma_wait3A_1144 = arith.constant 256 : i32
      %dma_wait3A_1145 = tpu.memref_slice %arg4[%dma_wait3A_1144] : memref<512xf32, #tpu.memory_space<vmem>> -> memref<64xf32, #tpu.memory_space<vmem>>
      %dma_wait3A_1146 = tpu.memref_slice %arg2[%add3A_12] : memref<16384xf32, #tpu.memory_space<hbm>> -> memref<64xf32, #tpu.memory_space<hbm>>
      tpu.wait_dma2 semaphore(%run_scoped3A : memref<!tpu.dma_semaphore, #tpu.memory_space<semaphore_mem>>) src(%dma_wait3A_1146 : memref<64xf32, #tpu.memory_space<hbm>>) dst(%dma_wait3A_1145 : memref<64xf32, #tpu.memory_space<vmem>>)
      tpu.yield
    }) : () -> ()
    %add3A_13 = arith.constant 10240 : i32
    %add3A_14 = arith.addi %add3A_13, %mul3A_2 : i32
    "tpu.region"() ({
      %run_scoped3A = tpu.sem_alloc : memref<!tpu.dma_semaphore, #tpu.memory_space<semaphore_mem>>
      %dma_start3A = arith.constant 320 : i32
      %dma_start3A_1137 = tpu.memref_slice %arg4[%dma_start3A] : memref<512xf32, #tpu.memory_space<vmem>> -> memref<64xf32, #tpu.memory_space<vmem>>
      %dma_start3A_1138 = tpu.memref_slice %arg2[%add3A_14] : memref<16384xf32, #tpu.memory_space<hbm>> -> memref<64xf32, #tpu.memory_space<hbm>>
      %dma_start3A_1139 = arith.constant 320 : i32
      %dma_start3A_1140 = tpu.memref_slice %arg4[%dma_start3A_1139] : memref<512xf32, #tpu.memory_space<vmem>> -> memref<64xf32, #tpu.memory_space<vmem>>
      %dma_start3A_1141 = tpu.memref_slice %arg2[%add3A_14] : memref<16384xf32, #tpu.memory_space<hbm>> -> memref<64xf32, #tpu.memory_space<hbm>>
      tpu.enqueue_dma source(%dma_start3A_1141 : memref<64xf32, #tpu.memory_space<hbm>>) target(%dma_start3A_1140 : memref<64xf32, #tpu.memory_space<vmem>>) target_semaphore(%run_scoped3A : memref<!tpu.dma_semaphore, #tpu.memory_space<semaphore_mem>>)
      %dma_wait3A = arith.constant 320 : i32
      %dma_wait3A_1142 = tpu.memref_slice %arg4[%dma_wait3A] : memref<512xf32, #tpu.memory_space<vmem>> -> memref<64xf32, #tpu.memory_space<vmem>>
      %dma_wait3A_1143 = tpu.memref_slice %arg2[%add3A_14] : memref<16384xf32, #tpu.memory_space<hbm>> -> memref<64xf32, #tpu.memory_space<hbm>>
      %dma_wait3A_1144 = arith.constant 320 : i32
      %dma_wait3A_1145 = tpu.memref_slice %arg4[%dma_wait3A_1144] : memref<512xf32, #tpu.memory_space<vmem>> -> memref<64xf32, #tpu.memory_space<vmem>>
      %dma_wait3A_1146 = tpu.memref_slice %arg2[%add3A_14] : memref<16384xf32, #tpu.memory_space<hbm>> -> memref<64xf32, #tpu.memory_space<hbm>>
      tpu.wait_dma2 semaphore(%run_scoped3A : memref<!tpu.dma_semaphore, #tpu.memory_space<semaphore_mem>>) src(%dma_wait3A_1146 : memref<64xf32, #tpu.memory_space<hbm>>) dst(%dma_wait3A_1145 : memref<64xf32, #tpu.memory_space<vmem>>)
      tpu.yield
    }) : () -> ()
    %add3A_15 = arith.constant 12288 : i32
    %add3A_16 = arith.addi %add3A_15, %mul3A_2 : i32
    "tpu.region"() ({
      %run_scoped3A = tpu.sem_alloc : memref<!tpu.dma_semaphore, #tpu.memory_space<semaphore_mem>>
      %dma_start3A = arith.constant 384 : i32
      %dma_start3A_1137 = tpu.memref_slice %arg4[%dma_start3A] : memref<512xf32, #tpu.memory_space<vmem>> -> memref<64xf32, #tpu.memory_space<vmem>>
      %dma_start3A_1138 = tpu.memref_slice %arg2[%add3A_16] : memref<16384xf32, #tpu.memory_space<hbm>> -> memref<64xf32, #tpu.memory_space<hbm>>
      %dma_start3A_1139 = arith.constant 384 : i32
      %dma_start3A_1140 = tpu.memref_slice %arg4[%dma_start3A_1139] : memref<512xf32, #tpu.memory_space<vmem>> -> memref<64xf32, #tpu.memory_space<vmem>>
      %dma_start3A_1141 = tpu.memref_slice %arg2[%add3A_16] : memref<16384xf32, #tpu.memory_space<hbm>> -> memref<64xf32, #tpu.memory_space<hbm>>
      tpu.enqueue_dma source(%dma_start3A_1141 : memref<64xf32, #tpu.memory_space<hbm>>) target(%dma_start3A_1140 : memref<64xf32, #tpu.memory_space<vmem>>) target_semaphore(%run_scoped3A : memref<!tpu.dma_semaphore, #tpu.memory_space<semaphore_mem>>)
      %dma_wait3A = arith.constant 384 : i32
      %dma_wait3A_1142 = tpu.memref_slice %arg4[%dma_wait3A] : memref<512xf32, #tpu.memory_space<vmem>> -> memref<64xf32, #tpu.memory_space<vmem>>
      %dma_wait3A_1143 = tpu.memref_slice %arg2[%add3A_16] : memref<16384xf32, #tpu.memory_space<hbm>> -> memref<64xf32, #tpu.memory_space<hbm>>
      %dma_wait3A_1144 = arith.constant 384 : i32
      %dma_wait3A_1145 = tpu.memref_slice %arg4[%dma_wait3A_1144] : memref<512xf32, #tpu.memory_space<vmem>> -> memref<64xf32, #tpu.memory_space<vmem>>
      %dma_wait3A_1146 = tpu.memref_slice %arg2[%add3A_16] : memref<16384xf32, #tpu.memory_space<hbm>> -> memref<64xf32, #tpu.memory_space<hbm>>
      tpu.wait_dma2 semaphore(%run_scoped3A : memref<!tpu.dma_semaphore, #tpu.memory_space<semaphore_mem>>) src(%dma_wait3A_1146 : memref<64xf32, #tpu.memory_space<hbm>>) dst(%dma_wait3A_1145 : memref<64xf32, #tpu.memory_space<vmem>>)
      tpu.yield
    }) : () -> ()
    %add3A_17 = arith.constant 14336 : i32
    %add3A_18 = arith.addi %add3A_17, %mul3A_2 : i32
    "tpu.region"() ({
      %run_scoped3A = tpu.sem_alloc : memref<!tpu.dma_semaphore, #tpu.memory_space<semaphore_mem>>
      %dma_start3A = arith.constant 448 : i32
      %dma_start3A_1137 = tpu.memref_slice %arg4[%dma_start3A] : memref<512xf32, #tpu.memory_space<vmem>> -> memref<64xf32, #tpu.memory_space<vmem>>
      %dma_start3A_1138 = tpu.memref_slice %arg2[%add3A_18] : memref<16384xf32, #tpu.memory_space<hbm>> -> memref<64xf32, #tpu.memory_space<hbm>>
      %dma_start3A_1139 = arith.constant 448 : i32
      %dma_start3A_1140 = tpu.memref_slice %arg4[%dma_start3A_1139] : memref<512xf32, #tpu.memory_space<vmem>> -> memref<64xf32, #tpu.memory_space<vmem>>
      %dma_start3A_1141 = tpu.memref_slice %arg2[%add3A_18] : memref<16384xf32, #tpu.memory_space<hbm>> -> memref<64xf32, #tpu.memory_space<hbm>>
      tpu.enqueue_dma source(%dma_start3A_1141 : memref<64xf32, #tpu.memory_space<hbm>>) target(%dma_start3A_1140 : memref<64xf32, #tpu.memory_space<vmem>>) target_semaphore(%run_scoped3A : memref<!tpu.dma_semaphore, #tpu.memory_space<semaphore_mem>>)
      %dma_wait3A = arith.constant 448 : i32
      %dma_wait3A_1142 = tpu.memref_slice %arg4[%dma_wait3A] : memref<512xf32, #tpu.memory_space<vmem>> -> memref<64xf32, #tpu.memory_space<vmem>>
      %dma_wait3A_1143 = tpu.memref_slice %arg2[%add3A_18] : memref<16384xf32, #tpu.memory_space<hbm>> -> memref<64xf32, #tpu.memory_space<hbm>>
      %dma_wait3A_1144 = arith.constant 448 : i32
      %dma_wait3A_1145 = tpu.memref_slice %arg4[%dma_wait3A_1144] : memref<512xf32, #tpu.memory_space<vmem>> -> memref<64xf32, #tpu.memory_space<vmem>>
      %dma_wait3A_1146 = tpu.memref_slice %arg2[%add3A_18] : memref<16384xf32, #tpu.memory_space<hbm>> -> memref<64xf32, #tpu.memory_space<hbm>>
      tpu.wait_dma2 semaphore(%run_scoped3A : memref<!tpu.dma_semaphore, #tpu.memory_space<semaphore_mem>>) src(%dma_wait3A_1146 : memref<64xf32, #tpu.memory_space<hbm>>) dst(%dma_wait3A_1145 : memref<64xf32, #tpu.memory_space<vmem>>)
      tpu.yield
    }) : () -> ()
    %get3A = arith.constant 0 : index
    %get3A_19 = tpu.vector_load %arg4[%get3A] {strides = array<i32>} : memref<512xf32, #tpu.memory_space<vmem>>, vector<16xf32>,
    %get3A_20 = vector.shape_cast %get3A_19 : vector<16xf32> to vector<16xf32>
    %get3A_21 = arith.constant 64 : index
    %get3A_22 = tpu.vector_load %arg4[%get3A_21] {strides = array<i32>} : memref<512xf32, #tpu.memory_space<vmem>>, vector<16xf32>,
    %get3A_23 = vector.shape_cast %get3A_22 : vector<16xf32> to vector<16xf32>
    %get3A_24 = arith.constant 128 : index
    %get3A_25 = tpu.vector_load %arg4[%get3A_24] {strides = array<i32>} : memref<512xf32, #tpu.memory_space<vmem>>, vector<16xf32>,
    %get3A_26 = vector.shape_cast %get3A_25 : vector<16xf32> to vector<16xf32>
    %get3A_27 = arith.constant 192 : index
    %get3A_28 = tpu.vector_load %arg4[%get3A_27] {strides = array<i32>} : memref<512xf32, #tpu.memory_space<vmem>>, vector<16xf32>,
    %get3A_29 = vector.shape_cast %get3A_28 : vector<16xf32> to vector<16xf32>
    %get3A_30 = arith.constant 256 : index
    %get3A_31 = tpu.vector_load %arg4[%get3A_30] {strides = array<i32>} : memref<512xf32, #tpu.memory_space<vmem>>, vector<16xf32>,
    %get3A_32 = vector.shape_cast %get3A_31 : vector<16xf32> to vector<16xf32>
    %get3A_33 = arith.constant 320 : index
    %get3A_34 = tpu.vector_load %arg4[%get3A_33] {strides = array<i32>} : memref<512xf32, #tpu.memory_space<vmem>>, vector<16xf32>,
    %get3A_35 = vector.shape_cast %get3A_34 : vector<16xf32> to vector<16xf32>
    %get3A_36 = arith.constant 384 : index
    %get3A_37 = tpu.vector_load %arg4[%get3A_36] {strides = array<i32>} : memref<512xf32, #tpu.memory_space<vmem>>, vector<16xf32>,
    %get3A_38 = vector.shape_cast %get3A_37 : vector<16xf32> to vector<16xf32>
    %get3A_39 = arith.constant 448 : index
    %get3A_40 = tpu.vector_load %arg4[%get3A_39] {strides = array<i32>} : memref<512xf32, #tpu.memory_space<vmem>>, vector<16xf32>,
    %get3A_41 = vector.shape_cast %get3A_40 : vector<16xf32> to vector<16xf32>
    %max3A = arith.maximumf %get3A_20, %get3A_23 : vector<16xf32>
    %max3A_42 = arith.maximumf %max3A, %get3A_26 : vector<16xf32>
    %max3A_43 = arith.maximumf %max3A_42, %get3A_29 : vector<16xf32>
    %max3A_44 = arith.maximumf %max3A_43, %get3A_32 : vector<16xf32>
    %max3A_45 = arith.maximumf %max3A_44, %get3A_35 : vector<16xf32>
    %max3A_46 = arith.maximumf %max3A_45, %get3A_38 : vector<16xf32>
    %max3A_47 = arith.maximumf %max3A_46, %get3A_41 : vector<16xf32>
    %sub3A = arith.subf %get3A_20, %max3A_47 : vector<16xf32>
    %exp3A = math.exp %sub3A : vector<16xf32>
    %sub3A_48 = arith.subf %get3A_23, %max3A_47 : vector<16xf32>
    %exp3A_49 = math.exp %sub3A_48 : vector<16xf32>
    %sub3A_50 = arith.subf %get3A_26, %max3A_47 : vector<16xf32>
    %exp3A_51 = math.exp %sub3A_50 : vector<16xf32>
    %sub3A_52 = arith.subf %get3A_29, %max3A_47 : vector<16xf32>
    %exp3A_53 = math.exp %sub3A_52 : vector<16xf32>
    %sub3A_54 = arith.subf %get3A_32, %max3A_47 : vector<16xf32>
    %exp3A_55 = math.exp %sub3A_54 : vector<16xf32>
    %sub3A_56 = arith.subf %get3A_35, %max3A_47 : vector<16xf32>
    %exp3A_57 = math.exp %sub3A_56 : vector<16xf32>
    %sub3A_58 = arith.subf %get3A_38, %max3A_47 : vector<16xf32>
    %exp3A_59 = math.exp %sub3A_58 : vector<16xf32>
    %sub3A_60 = arith.subf %get3A_41, %max3A_47 : vector<16xf32>
    %exp3A_61 = math.exp %sub3A_60 : vector<16xf32>
    %max3A_62 = arith.maximumf %exp3A, %exp3A_49 : vector<16xf32>
    %max3A_63 = arith.maximumf %max3A_62, %exp3A_51 : vector<16xf32>
    %max3A_64 = arith.maximumf %max3A_63, %exp3A_53 : vector<16xf32>
    %max3A_65 = arith.maximumf %max3A_64, %exp3A_55 : vector<16xf32>
    %max3A_66 = arith.maximumf %max3A_65, %exp3A_57 : vector<16xf32>
    %max3A_67 = arith.maximumf %max3A_66, %exp3A_59 : vector<16xf32>
    %max3A_68 = arith.maximumf %max3A_67, %exp3A_61 : vector<16xf32>
    %broadcast_in_dim3A = arith.constant 8 : i32
    %broadcast_in_dim3A_69 = vector.broadcast %broadcast_in_dim3A : i32 to vector<16xi32>
    %eq3A = arith.cmpf oeq, %exp3A, %max3A_68 : vector<16xf32>
    %broadcast_in_dim3A_70 = arith.constant 0 : i32
    %broadcast_in_dim3A_71 = vector.broadcast %broadcast_in_dim3A_70 : i32 to vector<16xi32>
    %select_n3A = arith.select %eq3A, %broadcast_in_dim3A_71, %broadcast_in_dim3A_69 : vector<16xi1>, vector<16xi32>
    %min3A = arith.minsi %broadcast_in_dim3A_69, %select_n3A : vector<16xi32>
    %eq3A_72 = arith.cmpf oeq, %exp3A_49, %max3A_68 : vector<16xf32>
    %broadcast_in_dim3A_73 = arith.constant 1 : i32
    %broadcast_in_dim3A_74 = vector.broadcast %broadcast_in_dim3A_73 : i32 to vector<16xi32>
    %select_n3A_75 = arith.select %eq3A_72, %broadcast_in_dim3A_74, %broadcast_in_dim3A_69 : vector<16xi1>, vector<16xi32>
    %min3A_76 = arith.minsi %min3A, %select_n3A_75 : vector<16xi32>
    %eq3A_77 = arith.cmpf oeq, %exp3A_51, %max3A_68 : vector<16xf32>
    %broadcast_in_dim3A_78 = arith.constant 2 : i32
    %broadcast_in_dim3A_79 = vector.broadcast %broadcast_in_dim3A_78 : i32 to vector<16xi32>
    %select_n3A_80 = arith.select %eq3A_77, %broadcast_in_dim3A_79, %broadcast_in_dim3A_69 : vector<16xi1>, vector<16xi32>
    %min3A_81 = arith.minsi %min3A_76, %select_n3A_80 : vector<16xi32>
    %eq3A_82 = arith.cmpf oeq, %exp3A_53, %max3A_68 : vector<16xf32>
    %broadcast_in_dim3A_83 = arith.constant 3 : i32
    %broadcast_in_dim3A_84 = vector.broadcast %broadcast_in_dim3A_83 : i32 to vector<16xi32>
    %select_n3A_85 = arith.select %eq3A_82, %broadcast_in_dim3A_84, %broadcast_in_dim3A_69 : vector<16xi1>, vector<16xi32>
    %min3A_86 = arith.minsi %min3A_81, %select_n3A_85 : vector<16xi32>
    %eq3A_87 = arith.cmpf oeq, %exp3A_55, %max3A_68 : vector<16xf32>
    %broadcast_in_dim3A_88 = arith.constant 4 : i32
    %broadcast_in_dim3A_89 = vector.broadcast %broadcast_in_dim3A_88 : i32 to vector<16xi32>
    %select_n3A_90 = arith.select %eq3A_87, %broadcast_in_dim3A_89, %broadcast_in_dim3A_69 : vector<16xi1>, vector<16xi32>
    %min3A_91 = arith.minsi %min3A_86, %select_n3A_90 : vector<16xi32>
    %eq3A_92 = arith.cmpf oeq, %exp3A_57, %max3A_68 : vector<16xf32>
    %broadcast_in_dim3A_93 = arith.constant 5 : i32
    %broadcast_in_dim3A_94 = vector.broadcast %broadcast_in_dim3A_93 : i32 to vector<16xi32>
    %select_n3A_95 = arith.select %eq3A_92, %broadcast_in_dim3A_94, %broadcast_in_dim3A_69 : vector<16xi1>, vector<16xi32>
    %min3A_96 = arith.minsi %min3A_91, %select_n3A_95 : vector<16xi32>
    %eq3A_97 = arith.cmpf oeq, %exp3A_59, %max3A_68 : vector<16xf32>
    %broadcast_in_dim3A_98 = arith.constant 6 : i32
    %broadcast_in_dim3A_99 = vector.broadcast %broadcast_in_dim3A_98 : i32 to vector<16xi32>
    %select_n3A_100 = arith.select %eq3A_97, %broadcast_in_dim3A_99, %broadcast_in_dim3A_69 : vector<16xi1>, vector<16xi32>
    %min3A_101 = arith.minsi %min3A_96, %select_n3A_100 : vector<16xi32>
    %eq3A_102 = arith.cmpf oeq, %exp3A_61, %max3A_68 : vector<16xf32>
    %broadcast_in_dim3A_103 = arith.constant 7 : i32
    %broadcast_in_dim3A_104 = vector.broadcast %broadcast_in_dim3A_103 : i32 to vector<16xi32>
    %select_n3A_105 = arith.select %eq3A_102, %broadcast_in_dim3A_104, %broadcast_in_dim3A_69 : vector<16xi1>, vector<16xi32>
    %min3A_106 = arith.minsi %min3A_101, %select_n3A_105 : vector<16xi32>
    %broadcast_in_dim3A_107 = arith.constant 0xFF800000 : f32
    %broadcast_in_dim3A_108 = vector.broadcast %broadcast_in_dim3A_107 : f32 to vector<16xf32>
    %eq3A_109 = arith.constant 0 : i32
    %eq3A_110 = vector.broadcast %eq3A_109 : i32 to vector<16xi32>
    %eq3A_111 = arith.cmpi eq, %min3A_106, %eq3A_110 : vector<16xi32>
    %select_n3A_112 = arith.select %eq3A_111, %broadcast_in_dim3A_108, %exp3A : vector<16xi1>, vector<16xf32>
    %eq3A_113 = arith.constant 1 : i32
    %eq3A_114 = vector.broadcast %eq3A_113 : i32 to vector<16xi32>
    %eq3A_115 = arith.cmpi eq, %min3A_106, %eq3A_114 : vector<16xi32>
    %select_n3A_116 = arith.select %eq3A_115, %broadcast_in_dim3A_108, %exp3A_49 : vector<16xi1>, vector<16xf32>
    %eq3A_117 = arith.constant 2 : i32
    %eq3A_118 = vector.broadcast %eq3A_117 : i32 to vector<16xi32>
    %eq3A_119 = arith.cmpi eq, %min3A_106, %eq3A_118 : vector<16xi32>
    %select_n3A_120 = arith.select %eq3A_119, %broadcast_in_dim3A_108, %exp3A_51 : vector<16xi1>, vector<16xf32>
    %eq3A_121 = arith.constant 3 : i32
    %eq3A_122 = vector.broadcast %eq3A_121 : i32 to vector<16xi32>
    %eq3A_123 = arith.cmpi eq, %min3A_106, %eq3A_122 : vector<16xi32>
    %select_n3A_124 = arith.select %eq3A_123, %broadcast_in_dim3A_108, %exp3A_53 : vector<16xi1>, vector<16xf32>
    %eq3A_125 = arith.constant 4 : i32
    %eq3A_126 = vector.broadcast %eq3A_125 : i32 to vector<16xi32>
    %eq3A_127 = arith.cmpi eq, %min3A_106, %eq3A_126 : vector<16xi32>
    %select_n3A_128 = arith.select %eq3A_127, %broadcast_in_dim3A_108, %exp3A_55 : vector<16xi1>, vector<16xf32>
    %eq3A_129 = arith.constant 5 : i32
    %eq3A_130 = vector.broadcast %eq3A_129 : i32 to vector<16xi32>
    %eq3A_131 = arith.cmpi eq, %min3A_106, %eq3A_130 : vector<16xi32>
    %select_n3A_132 = arith.select %eq3A_131, %broadcast_in_dim3A_108, %exp3A_57 : vector<16xi1>, vector<16xf32>
    %eq3A_133 = arith.constant 6 : i32
    %eq3A_134 = vector.broadcast %eq3A_133 : i32 to vector<16xi32>
    %eq3A_135 = arith.cmpi eq, %min3A_106, %eq3A_134 : vector<16xi32>
    %select_n3A_136 = arith.select %eq3A_135, %broadcast_in_dim3A_108, %exp3A_59 : vector<16xi1>, vector<16xf32>
    %eq3A_137 = arith.constant 7 : i32
    %eq3A_138 = vector.broadcast %eq3A_137 : i32 to vector<16xi32>
    %eq3A_139 = arith.cmpi eq, %min3A_106, %eq3A_138 : vector<16xi32>
    %select_n3A_140 = arith.select %eq3A_139, %broadcast_in_dim3A_108, %exp3A_61 : vector<16xi1>, vector<16xf32>
    %max3A_141 = arith.maximumf %select_n3A_112, %select_n3A_116 : vector<16xf32>
    %max3A_142 = arith.maximumf %max3A_141, %select_n3A_120 : vector<16xf32>
    %max3A_143 = arith.maximumf %max3A_142, %select_n3A_124 : vector<16xf32>
    %max3A_144 = arith.maximumf %max3A_143, %select_n3A_128 : vector<16xf32>
    %max3A_145 = arith.maximumf %max3A_144, %select_n3A_132 : vector<16xf32>
    %max3A_146 = arith.maximumf %max3A_145, %select_n3A_136 : vector<16xf32>
    %max3A_147 = arith.maximumf %max3A_146, %select_n3A_140 : vector<16xf32>
    %eq3A_148 = arith.cmpf oeq, %select_n3A_112, %max3A_147 : vector<16xf32>
    %broadcast_in_dim3A_149 = arith.constant 0 : i32
    %broadcast_in_dim3A_150 = vector.broadcast %broadcast_in_dim3A_149 : i32 to vector<16xi32>
    %select_n3A_151 = arith.select %eq3A_148, %broadcast_in_dim3A_150, %broadcast_in_dim3A_69 : vector<16xi1>, vector<16xi32>
    %min3A_152 = arith.minsi %broadcast_in_dim3A_69, %select_n3A_151 : vector<16xi32>
    %eq3A_153 = arith.cmpf oeq, %select_n3A_116, %max3A_147 : vector<16xf32>
    %broadcast_in_dim3A_154 = arith.constant 1 : i32
    %broadcast_in_dim3A_155 = vector.broadcast %broadcast_in_dim3A_154 : i32 to vector<16xi32>
    %select_n3A_156 = arith.select %eq3A_153, %broadcast_in_dim3A_155, %broadcast_in_dim3A_69 : vector<16xi1>, vector<16xi32>
    %min3A_157 = arith.minsi %min3A_152, %select_n3A_156 : vector<16xi32>
    %eq3A_158 = arith.cmpf oeq, %select_n3A_120, %max3A_147 : vector<16xf32>
    %broadcast_in_dim3A_159 = arith.constant 2 : i32
    %broadcast_in_dim3A_160 = vector.broadcast %broadcast_in_dim3A_159 : i32 to vector<16xi32>
    %select_n3A_161 = arith.select %eq3A_158, %broadcast_in_dim3A_160, %broadcast_in_dim3A_69 : vector<16xi1>, vector<16xi32>
    %min3A_162 = arith.minsi %min3A_157, %select_n3A_161 : vector<16xi32>
    %eq3A_163 = arith.cmpf oeq, %select_n3A_124, %max3A_147 : vector<16xf32>
    %broadcast_in_dim3A_164 = arith.constant 3 : i32
    %broadcast_in_dim3A_165 = vector.broadcast %broadcast_in_dim3A_164 : i32 to vector<16xi32>
    %select_n3A_166 = arith.select %eq3A_163, %broadcast_in_dim3A_165, %broadcast_in_dim3A_69 : vector<16xi1>, vector<16xi32>
    %min3A_167 = arith.minsi %min3A_162, %select_n3A_166 : vector<16xi32>
    %eq3A_168 = arith.cmpf oeq, %select_n3A_128, %max3A_147 : vector<16xf32>
    %broadcast_in_dim3A_169 = arith.constant 4 : i32
    %broadcast_in_dim3A_170 = vector.broadcast %broadcast_in_dim3A_169 : i32 to vector<16xi32>
    %select_n3A_171 = arith.select %eq3A_168, %broadcast_in_dim3A_170, %broadcast_in_dim3A_69 : vector<16xi1>, vector<16xi32>
    %min3A_172 = arith.minsi %min3A_167, %select_n3A_171 : vector<16xi32>
    %eq3A_173 = arith.cmpf oeq, %select_n3A_132, %max3A_147 : vector<16xf32>
    %broadcast_in_dim3A_174 = arith.constant 5 : i32
    %broadcast_in_dim3A_175 = vector.broadcast %broadcast_in_dim3A_174 : i32 to vector<16xi32>
    %select_n3A_176 = arith.select %eq3A_173, %broadcast_in_dim3A_175, %broadcast_in_dim3A_69 : vector<16xi1>, vector<16xi32>
    %min3A_177 = arith.minsi %min3A_172, %select_n3A_176 : vector<16xi32>
    %eq3A_178 = arith.cmpf oeq, %select_n3A_136, %max3A_147 : vector<16xf32>
    %broadcast_in_dim3A_179 = arith.constant 6 : i32
    %broadcast_in_dim3A_180 = vector.broadcast %broadcast_in_dim3A_179 : i32 to vector<16xi32>
    %select_n3A_181 = arith.select %eq3A_178, %broadcast_in_dim3A_180, %broadcast_in_dim3A_69 : vector<16xi1>, vector<16xi32>
    %min3A_182 = arith.minsi %min3A_177, %select_n3A_181 : vector<16xi32>
    %eq3A_183 = arith.cmpf oeq, %select_n3A_140, %max3A_147 : vector<16xf32>
    %broadcast_in_dim3A_184 = arith.constant 7 : i32
    %broadcast_in_dim3A_185 = vector.broadcast %broadcast_in_dim3A_184 : i32 to vector<16xi32>
    %select_n3A_186 = arith.select %eq3A_183, %broadcast_in_dim3A_185, %broadcast_in_dim3A_69 : vector<16xi1>, vector<16xi32>
    %min3A_187 = arith.minsi %min3A_182, %select_n3A_186 : vector<16xi32>
    %add3A_188 = arith.addf %max3A_68, %max3A_147 : vector<16xf32>
    %div3A = arith.divf %max3A_68, %add3A_188 : vector<16xf32>
    %div3A_189 = arith.divf %max3A_147, %add3A_188 : vector<16xf32>
    %broadcast_in_dim3A_190 = arith.constant 0.000000e+00 : f32
    %broadcast_in_dim3A_191 = vector.broadcast %broadcast_in_dim3A_190 : f32 to vector<16xf32>
    %eq3A_192 = arith.constant 0 : i32
    %eq3A_193 = vector.broadcast %eq3A_192 : i32 to vector<16xi32>
    %eq3A_194 = arith.cmpi eq, %min3A_106, %eq3A_193 : vector<16xi32>
    %eq3A_195 = arith.constant 0 : i32
    %eq3A_196 = vector.broadcast %eq3A_195 : i32 to vector<16xi32>
    %eq3A_197 = arith.cmpi eq, %min3A_187, %eq3A_196 : vector<16xi32>
    %select_n3A_198 = arith.select %eq3A_197, %div3A_189, %broadcast_in_dim3A_191 : vector<16xi1>, vector<16xf32>
    %select_n3A_199 = arith.select %eq3A_194, %div3A, %select_n3A_198 : vector<16xi1>, vector<16xf32>
    %swap3A = arith.constant 0 : index
    %swap3A_200 = tpu.vector_load %arg5[%swap3A] {strides = array<i32>} : memref<512xf32, #tpu.memory_space<vmem>>, vector<16xf32>,
    %swap3A_201 = vector.shape_cast %swap3A_200 : vector<16xf32> to vector<16xf32>
    %swap3A_202 = vector.shape_cast %select_n3A_199 : vector<16xf32> to vector<16xf32>
    tpu.vector_store %arg5[%swap3A], %swap3A_202 {strides = array<i32>} : memref<512xf32, #tpu.memory_space<vmem>>, vector<16xf32>,
    %eq3A_203 = arith.constant 1 : i32
    %eq3A_204 = vector.broadcast %eq3A_203 : i32 to vector<16xi32>
    %eq3A_205 = arith.cmpi eq, %min3A_106, %eq3A_204 : vector<16xi32>
    %eq3A_206 = arith.constant 1 : i32
    %eq3A_207 = vector.broadcast %eq3A_206 : i32 to vector<16xi32>
    %eq3A_208 = arith.cmpi eq, %min3A_187, %eq3A_207 : vector<16xi32>
    %select_n3A_209 = arith.select %eq3A_208, %div3A_189, %broadcast_in_dim3A_191 : vector<16xi1>, vector<16xf32>
    %select_n3A_210 = arith.select %eq3A_205, %div3A, %select_n3A_209 : vector<16xi1>, vector<16xf32>
    %swap3A_211 = arith.constant 64 : index
    %swap3A_212 = tpu.vector_load %arg5[%swap3A_211] {strides = array<i32>} : memref<512xf32, #tpu.memory_space<vmem>>, vector<16xf32>,
    %swap3A_213 = vector.shape_cast %swap3A_212 : vector<16xf32> to vector<16xf32>
    %swap3A_214 = vector.shape_cast %select_n3A_210 : vector<16xf32> to vector<16xf32>
    tpu.vector_store %arg5[%swap3A_211], %swap3A_214 {strides = array<i32>} : memref<512xf32, #tpu.memory_space<vmem>>, vector<16xf32>,
    %eq3A_215 = arith.constant 2 : i32
    %eq3A_216 = vector.broadcast %eq3A_215 : i32 to vector<16xi32>
    %eq3A_217 = arith.cmpi eq, %min3A_106, %eq3A_216 : vector<16xi32>
    %eq3A_218 = arith.constant 2 : i32
    %eq3A_219 = vector.broadcast %eq3A_218 : i32 to vector<16xi32>
    %eq3A_220 = arith.cmpi eq, %min3A_187, %eq3A_219 : vector<16xi32>
    %select_n3A_221 = arith.select %eq3A_220, %div3A_189, %broadcast_in_dim3A_191 : vector<16xi1>, vector<16xf32>
    %select_n3A_222 = arith.select %eq3A_217, %div3A, %select_n3A_221 : vector<16xi1>, vector<16xf32>
    %swap3A_223 = arith.constant 128 : index
    %swap3A_224 = tpu.vector_load %arg5[%swap3A_223] {strides = array<i32>} : memref<512xf32, #tpu.memory_space<vmem>>, vector<16xf32>,
    %swap3A_225 = vector.shape_cast %swap3A_224 : vector<16xf32> to vector<16xf32>
    %swap3A_226 = vector.shape_cast %select_n3A_222 : vector<16xf32> to vector<16xf32>
    tpu.vector_store %arg5[%swap3A_223], %swap3A_226 {strides = array<i32>} : memref<512xf32, #tpu.memory_space<vmem>>, vector<16xf32>,
    %eq3A_227 = arith.constant 3 : i32
    %eq3A_228 = vector.broadcast %eq3A_227 : i32 to vector<16xi32>
    %eq3A_229 = arith.cmpi eq, %min3A_106, %eq3A_228 : vector<16xi32>
    %eq3A_230 = arith.constant 3 : i32
    %eq3A_231 = vector.broadcast %eq3A_230 : i32 to vector<16xi32>
    %eq3A_232 = arith.cmpi eq, %min3A_187, %eq3A_231 : vector<16xi32>
    %select_n3A_233 = arith.select %eq3A_232, %div3A_189, %broadcast_in_dim3A_191 : vector<16xi1>, vector<16xf32>
    %select_n3A_234 = arith.select %eq3A_229, %div3A, %select_n3A_233 : vector<16xi1>, vector<16xf32>
    %swap3A_235 = arith.constant 192 : index
    %swap3A_236 = tpu.vector_load %arg5[%swap3A_235] {strides = array<i32>} : memref<512xf32, #tpu.memory_space<vmem>>, vector<16xf32>,
    %swap3A_237 = vector.shape_cast %swap3A_236 : vector<16xf32> to vector<16xf32>
    %swap3A_238 = vector.shape_cast %select_n3A_234 : vector<16xf32> to vector<16xf32>
    tpu.vector_store %arg5[%swap3A_235], %swap3A_238 {strides = array<i32>} : memref<512xf32, #tpu.memory_space<vmem>>, vector<16xf32>,
    %eq3A_239 = arith.constant 4 : i32
    %eq3A_240 = vector.broadcast %eq3A_239 : i32 to vector<16xi32>
    %eq3A_241 = arith.cmpi eq, %min3A_106, %eq3A_240 : vector<16xi32>
    %eq3A_242 = arith.constant 4 : i32
    %eq3A_243 = vector.broadcast %eq3A_242 : i32 to vector<16xi32>
    %eq3A_244 = arith.cmpi eq, %min3A_187, %eq3A_243 : vector<16xi32>
    %select_n3A_245 = arith.select %eq3A_244, %div3A_189, %broadcast_in_dim3A_191 : vector<16xi1>, vector<16xf32>
    %select_n3A_246 = arith.select %eq3A_241, %div3A, %select_n3A_245 : vector<16xi1>, vector<16xf32>
    %swap3A_247 = arith.constant 256 : index
    %swap3A_248 = tpu.vector_load %arg5[%swap3A_247] {strides = array<i32>} : memref<512xf32, #tpu.memory_space<vmem>>, vector<16xf32>,
    %swap3A_249 = vector.shape_cast %swap3A_248 : vector<16xf32> to vector<16xf32>
    %swap3A_250 = vector.shape_cast %select_n3A_246 : vector<16xf32> to vector<16xf32>
    tpu.vector_store %arg5[%swap3A_247], %swap3A_250 {strides = array<i32>} : memref<512xf32, #tpu.memory_space<vmem>>, vector<16xf32>,
    %eq3A_251 = arith.constant 5 : i32
    %eq3A_252 = vector.broadcast %eq3A_251 : i32 to vector<16xi32>
    %eq3A_253 = arith.cmpi eq, %min3A_106, %eq3A_252 : vector<16xi32>
    %eq3A_254 = arith.constant 5 : i32
    %eq3A_255 = vector.broadcast %eq3A_254 : i32 to vector<16xi32>
    %eq3A_256 = arith.cmpi eq, %min3A_187, %eq3A_255 : vector<16xi32>
    %select_n3A_257 = arith.select %eq3A_256, %div3A_189, %broadcast_in_dim3A_191 : vector<16xi1>, vector<16xf32>
    %select_n3A_258 = arith.select %eq3A_253, %div3A, %select_n3A_257 : vector<16xi1>, vector<16xf32>
    %swap3A_259 = arith.constant 320 : index
    %swap3A_260 = tpu.vector_load %arg5[%swap3A_259] {strides = array<i32>} : memref<512xf32, #tpu.memory_space<vmem>>, vector<16xf32>,
    %swap3A_261 = vector.shape_cast %swap3A_260 : vector<16xf32> to vector<16xf32>
    %swap3A_262 = vector.shape_cast %select_n3A_258 : vector<16xf32> to vector<16xf32>
    tpu.vector_store %arg5[%swap3A_259], %swap3A_262 {strides = array<i32>} : memref<512xf32, #tpu.memory_space<vmem>>, vector<16xf32>,
    %eq3A_263 = arith.constant 6 : i32
    %eq3A_264 = vector.broadcast %eq3A_263 : i32 to vector<16xi32>
    %eq3A_265 = arith.cmpi eq, %min3A_106, %eq3A_264 : vector<16xi32>
    %eq3A_266 = arith.constant 6 : i32
    %eq3A_267 = vector.broadcast %eq3A_266 : i32 to vector<16xi32>
    %eq3A_268 = arith.cmpi eq, %min3A_187, %eq3A_267 : vector<16xi32>
    %select_n3A_269 = arith.select %eq3A_268, %div3A_189, %broadcast_in_dim3A_191 : vector<16xi1>, vector<16xf32>
    %select_n3A_270 = arith.select %eq3A_265, %div3A, %select_n3A_269 : vector<16xi1>, vector<16xf32>
    %swap3A_271 = arith.constant 384 : index
    %swap3A_272 = tpu.vector_load %arg5[%swap3A_271] {strides = array<i32>} : memref<512xf32, #tpu.memory_space<vmem>>, vector<16xf32>,
    %swap3A_273 = vector.shape_cast %swap3A_272 : vector<16xf32> to vector<16xf32>
    %swap3A_274 = vector.shape_cast %select_n3A_270 : vector<16xf32> to vector<16xf32>
    tpu.vector_store %arg5[%swap3A_271], %swap3A_274 {strides = array<i32>} : memref<512xf32, #tpu.memory_space<vmem>>, vector<16xf32>,
    %eq3A_275 = arith.constant 7 : i32
    %eq3A_276 = vector.broadcast %eq3A_275 : i32 to vector<16xi32>
    %eq3A_277 = arith.cmpi eq, %min3A_106, %eq3A_276 : vector<16xi32>
    %eq3A_278 = arith.constant 7 : i32
    %eq3A_279 = vector.broadcast %eq3A_278 : i32 to vector<16xi32>
    %eq3A_280 = arith.cmpi eq, %min3A_187, %eq3A_279 : vector<16xi32>
    %select_n3A_281 = arith.select %eq3A_280, %div3A_189, %broadcast_in_dim3A_191 : vector<16xi1>, vector<16xf32>
    %select_n3A_282 = arith.select %eq3A_277, %div3A, %select_n3A_281 : vector<16xi1>, vector<16xf32>
    %swap3A_283 = arith.constant 448 : index
    %swap3A_284 = tpu.vector_load %arg5[%swap3A_283] {strides = array<i32>} : memref<512xf32, #tpu.memory_space<vmem>>, vector<16xf32>,
    %swap3A_285 = vector.shape_cast %swap3A_284 : vector<16xf32> to vector<16xf32>
    %swap3A_286 = vector.shape_cast %select_n3A_282 : vector<16xf32> to vector<16xf32>
    tpu.vector_store %arg5[%swap3A_283], %swap3A_286 {strides = array<i32>} : memref<512xf32, #tpu.memory_space<vmem>>, vector<16xf32>,
    %get3A_287 = arith.constant 16 : index
    %get3A_288 = tpu.vector_load %arg4[%get3A_287] {strides = array<i32>} : memref<512xf32, #tpu.memory_space<vmem>>, vector<16xf32>,
    %get3A_289 = vector.shape_cast %get3A_288 : vector<16xf32> to vector<16xf32>
    %get3A_290 = arith.constant 80 : index
    %get3A_291 = tpu.vector_load %arg4[%get3A_290] {strides = array<i32>} : memref<512xf32, #tpu.memory_space<vmem>>, vector<16xf32>,
    %get3A_292 = vector.shape_cast %get3A_291 : vector<16xf32> to vector<16xf32>
    %get3A_293 = arith.constant 144 : index
    %get3A_294 = tpu.vector_load %arg4[%get3A_293] {strides = array<i32>} : memref<512xf32, #tpu.memory_space<vmem>>, vector<16xf32>,
    %get3A_295 = vector.shape_cast %get3A_294 : vector<16xf32> to vector<16xf32>
    %get3A_296 = arith.constant 208 : index
    %get3A_297 = tpu.vector_load %arg4[%get3A_296] {strides = array<i32>} : memref<512xf32, #tpu.memory_space<vmem>>, vector<16xf32>,
    %get3A_298 = vector.shape_cast %get3A_297 : vector<16xf32> to vector<16xf32>
    %get3A_299 = arith.constant 272 : index
    %get3A_300 = tpu.vector_load %arg4[%get3A_299] {strides = array<i32>} : memref<512xf32, #tpu.memory_space<vmem>>, vector<16xf32>,
    %get3A_301 = vector.shape_cast %get3A_300 : vector<16xf32> to vector<16xf32>
    %get3A_302 = arith.constant 336 : index
    %get3A_303 = tpu.vector_load %arg4[%get3A_302] {strides = array<i32>} : memref<512xf32, #tpu.memory_space<vmem>>, vector<16xf32>,
    %get3A_304 = vector.shape_cast %get3A_303 : vector<16xf32> to vector<16xf32>
    %get3A_305 = arith.constant 400 : index
    %get3A_306 = tpu.vector_load %arg4[%get3A_305] {strides = array<i32>} : memref<512xf32, #tpu.memory_space<vmem>>, vector<16xf32>,
    %get3A_307 = vector.shape_cast %get3A_306 : vector<16xf32> to vector<16xf32>
    %get3A_308 = arith.constant 464 : index
    %get3A_309 = tpu.vector_load %arg4[%get3A_308] {strides = array<i32>} : memref<512xf32, #tpu.memory_space<vmem>>, vector<16xf32>,
    %get3A_310 = vector.shape_cast %get3A_309 : vector<16xf32> to vector<16xf32>
    %max3A_311 = arith.maximumf %get3A_289, %get3A_292 : vector<16xf32>
    %max3A_312 = arith.maximumf %max3A_311, %get3A_295 : vector<16xf32>
    %max3A_313 = arith.maximumf %max3A_312, %get3A_298 : vector<16xf32>
    %max3A_314 = arith.maximumf %max3A_313, %get3A_301 : vector<16xf32>
    %max3A_315 = arith.maximumf %max3A_314, %get3A_304 : vector<16xf32>
    %max3A_316 = arith.maximumf %max3A_315, %get3A_307 : vector<16xf32>
    %max3A_317 = arith.maximumf %max3A_316, %get3A_310 : vector<16xf32>
    %sub3A_318 = arith.subf %get3A_289, %max3A_317 : vector<16xf32>
    %exp3A_319 = math.exp %sub3A_318 : vector<16xf32>
    %sub3A_320 = arith.subf %get3A_292, %max3A_317 : vector<16xf32>
    %exp3A_321 = math.exp %sub3A_320 : vector<16xf32>
    %sub3A_322 = arith.subf %get3A_295, %max3A_317 : vector<16xf32>
    %exp3A_323 = math.exp %sub3A_322 : vector<16xf32>
    %sub3A_324 = arith.subf %get3A_298, %max3A_317 : vector<16xf32>
    %exp3A_325 = math.exp %sub3A_324 : vector<16xf32>
    %sub3A_326 = arith.subf %get3A_301, %max3A_317 : vector<16xf32>
    %exp3A_327 = math.exp %sub3A_326 : vector<16xf32>
    %sub3A_328 = arith.subf %get3A_304, %max3A_317 : vector<16xf32>
    %exp3A_329 = math.exp %sub3A_328 : vector<16xf32>
    %sub3A_330 = arith.subf %get3A_307, %max3A_317 : vector<16xf32>
    %exp3A_331 = math.exp %sub3A_330 : vector<16xf32>
    %sub3A_332 = arith.subf %get3A_310, %max3A_317 : vector<16xf32>
    %exp3A_333 = math.exp %sub3A_332 : vector<16xf32>
    %max3A_334 = arith.maximumf %exp3A_319, %exp3A_321 : vector<16xf32>
    %max3A_335 = arith.maximumf %max3A_334, %exp3A_323 : vector<16xf32>
    %max3A_336 = arith.maximumf %max3A_335, %exp3A_325 : vector<16xf32>
    %max3A_337 = arith.maximumf %max3A_336, %exp3A_327 : vector<16xf32>
    %max3A_338 = arith.maximumf %max3A_337, %exp3A_329 : vector<16xf32>
    %max3A_339 = arith.maximumf %max3A_338, %exp3A_331 : vector<16xf32>
    %max3A_340 = arith.maximumf %max3A_339, %exp3A_333 : vector<16xf32>
    %broadcast_in_dim3A_341 = arith.constant 8 : i32
    %broadcast_in_dim3A_342 = vector.broadcast %broadcast_in_dim3A_341 : i32 to vector<16xi32>
    %eq3A_343 = arith.cmpf oeq, %exp3A_319, %max3A_340 : vector<16xf32>
    %broadcast_in_dim3A_344 = arith.constant 0 : i32
    %broadcast_in_dim3A_345 = vector.broadcast %broadcast_in_dim3A_344 : i32 to vector<16xi32>
    %select_n3A_346 = arith.select %eq3A_343, %broadcast_in_dim3A_345, %broadcast_in_dim3A_342 : vector<16xi1>, vector<16xi32>
    %min3A_347 = arith.minsi %broadcast_in_dim3A_342, %select_n3A_346 : vector<16xi32>
    %eq3A_348 = arith.cmpf oeq, %exp3A_321, %max3A_340 : vector<16xf32>
    %broadcast_in_dim3A_349 = arith.constant 1 : i32
    %broadcast_in_dim3A_350 = vector.broadcast %broadcast_in_dim3A_349 : i32 to vector<16xi32>
    %select_n3A_351 = arith.select %eq3A_348, %broadcast_in_dim3A_350, %broadcast_in_dim3A_342 : vector<16xi1>, vector<16xi32>
    %min3A_352 = arith.minsi %min3A_347, %select_n3A_351 : vector<16xi32>
    %eq3A_353 = arith.cmpf oeq, %exp3A_323, %max3A_340 : vector<16xf32>
    %broadcast_in_dim3A_354 = arith.constant 2 : i32
    %broadcast_in_dim3A_355 = vector.broadcast %broadcast_in_dim3A_354 : i32 to vector<16xi32>
    %select_n3A_356 = arith.select %eq3A_353, %broadcast_in_dim3A_355, %broadcast_in_dim3A_342 : vector<16xi1>, vector<16xi32>
    %min3A_357 = arith.minsi %min3A_352, %select_n3A_356 : vector<16xi32>
    %eq3A_358 = arith.cmpf oeq, %exp3A_325, %max3A_340 : vector<16xf32>
    %broadcast_in_dim3A_359 = arith.constant 3 : i32
    %broadcast_in_dim3A_360 = vector.broadcast %broadcast_in_dim3A_359 : i32 to vector<16xi32>
    %select_n3A_361 = arith.select %eq3A_358, %broadcast_in_dim3A_360, %broadcast_in_dim3A_342 : vector<16xi1>, vector<16xi32>
    %min3A_362 = arith.minsi %min3A_357, %select_n3A_361 : vector<16xi32>
    %eq3A_363 = arith.cmpf oeq, %exp3A_327, %max3A_340 : vector<16xf32>
    %broadcast_in_dim3A_364 = arith.constant 4 : i32
    %broadcast_in_dim3A_365 = vector.broadcast %broadcast_in_dim3A_364 : i32 to vector<16xi32>
    %select_n3A_366 = arith.select %eq3A_363, %broadcast_in_dim3A_365, %broadcast_in_dim3A_342 : vector<16xi1>, vector<16xi32>
    %min3A_367 = arith.minsi %min3A_362, %select_n3A_366 : vector<16xi32>
    %eq3A_368 = arith.cmpf oeq, %exp3A_329, %max3A_340 : vector<16xf32>
    %broadcast_in_dim3A_369 = arith.constant 5 : i32
    %broadcast_in_dim3A_370 = vector.broadcast %broadcast_in_dim3A_369 : i32 to vector<16xi32>
    %select_n3A_371 = arith.select %eq3A_368, %broadcast_in_dim3A_370, %broadcast_in_dim3A_342 : vector<16xi1>, vector<16xi32>
    %min3A_372 = arith.minsi %min3A_367, %select_n3A_371 : vector<16xi32>
    %eq3A_373 = arith.cmpf oeq, %exp3A_331, %max3A_340 : vector<16xf32>
    %broadcast_in_dim3A_374 = arith.constant 6 : i32
    %broadcast_in_dim3A_375 = vector.broadcast %broadcast_in_dim3A_374 : i32 to vector<16xi32>
    %select_n3A_376 = arith.select %eq3A_373, %broadcast_in_dim3A_375, %broadcast_in_dim3A_342 : vector<16xi1>, vector<16xi32>
    %min3A_377 = arith.minsi %min3A_372, %select_n3A_376 : vector<16xi32>
    %eq3A_378 = arith.cmpf oeq, %exp3A_333, %max3A_340 : vector<16xf32>
    %broadcast_in_dim3A_379 = arith.constant 7 : i32
    %broadcast_in_dim3A_380 = vector.broadcast %broadcast_in_dim3A_379 : i32 to vector<16xi32>
    %select_n3A_381 = arith.select %eq3A_378, %broadcast_in_dim3A_380, %broadcast_in_dim3A_342 : vector<16xi1>, vector<16xi32>
    %min3A_382 = arith.minsi %min3A_377, %select_n3A_381 : vector<16xi32>
    %broadcast_in_dim3A_383 = arith.constant 0xFF800000 : f32
    %broadcast_in_dim3A_384 = vector.broadcast %broadcast_in_dim3A_383 : f32 to vector<16xf32>
    %eq3A_385 = arith.constant 0 : i32
    %eq3A_386 = vector.broadcast %eq3A_385 : i32 to vector<16xi32>
    %eq3A_387 = arith.cmpi eq, %min3A_382, %eq3A_386 : vector<16xi32>
    %select_n3A_388 = arith.select %eq3A_387, %broadcast_in_dim3A_384, %exp3A_319 : vector<16xi1>, vector<16xf32>
    %eq3A_389 = arith.constant 1 : i32
    %eq3A_390 = vector.broadcast %eq3A_389 : i32 to vector<16xi32>
    %eq3A_391 = arith.cmpi eq, %min3A_382, %eq3A_390 : vector<16xi32>
    %select_n3A_392 = arith.select %eq3A_391, %broadcast_in_dim3A_384, %exp3A_321 : vector<16xi1>, vector<16xf32>
    %eq3A_393 = arith.constant 2 : i32
    %eq3A_394 = vector.broadcast %eq3A_393 : i32 to vector<16xi32>
    %eq3A_395 = arith.cmpi eq, %min3A_382, %eq3A_394 : vector<16xi32>
    %select_n3A_396 = arith.select %eq3A_395, %broadcast_in_dim3A_384, %exp3A_323 : vector<16xi1>, vector<16xf32>
    %eq3A_397 = arith.constant 3 : i32
    %eq3A_398 = vector.broadcast %eq3A_397 : i32 to vector<16xi32>
    %eq3A_399 = arith.cmpi eq, %min3A_382, %eq3A_398 : vector<16xi32>
    %select_n3A_400 = arith.select %eq3A_399, %broadcast_in_dim3A_384, %exp3A_325 : vector<16xi1>, vector<16xf32>
    %eq3A_401 = arith.constant 4 : i32
    %eq3A_402 = vector.broadcast %eq3A_401 : i32 to vector<16xi32>
    %eq3A_403 = arith.cmpi eq, %min3A_382, %eq3A_402 : vector<16xi32>
    %select_n3A_404 = arith.select %eq3A_403, %broadcast_in_dim3A_384, %exp3A_327 : vector<16xi1>, vector<16xf32>
    %eq3A_405 = arith.constant 5 : i32
    %eq3A_406 = vector.broadcast %eq3A_405 : i32 to vector<16xi32>
    %eq3A_407 = arith.cmpi eq, %min3A_382, %eq3A_406 : vector<16xi32>
    %select_n3A_408 = arith.select %eq3A_407, %broadcast_in_dim3A_384, %exp3A_329 : vector<16xi1>, vector<16xf32>
    %eq3A_409 = arith.constant 6 : i32
    %eq3A_410 = vector.broadcast %eq3A_409 : i32 to vector<16xi32>
    %eq3A_411 = arith.cmpi eq, %min3A_382, %eq3A_410 : vector<16xi32>
    %select_n3A_412 = arith.select %eq3A_411, %broadcast_in_dim3A_384, %exp3A_331 : vector<16xi1>, vector<16xf32>
    %eq3A_413 = arith.constant 7 : i32
    %eq3A_414 = vector.broadcast %eq3A_413 : i32 to vector<16xi32>
    %eq3A_415 = arith.cmpi eq, %min3A_382, %eq3A_414 : vector<16xi32>
    %select_n3A_416 = arith.select %eq3A_415, %broadcast_in_dim3A_384, %exp3A_333 : vector<16xi1>, vector<16xf32>
    %max3A_417 = arith.maximumf %select_n3A_388, %select_n3A_392 : vector<16xf32>
    %max3A_418 = arith.maximumf %max3A_417, %select_n3A_396 : vector<16xf32>
    %max3A_419 = arith.maximumf %max3A_418, %select_n3A_400 : vector<16xf32>
    %max3A_420 = arith.maximumf %max3A_419, %select_n3A_404 : vector<16xf32>
    %max3A_421 = arith.maximumf %max3A_420, %select_n3A_408 : vector<16xf32>
    %max3A_422 = arith.maximumf %max3A_421, %select_n3A_412 : vector<16xf32>
    %max3A_423 = arith.maximumf %max3A_422, %select_n3A_416 : vector<16xf32>
    %eq3A_424 = arith.cmpf oeq, %select_n3A_388, %max3A_423 : vector<16xf32>
    %broadcast_in_dim3A_425 = arith.constant 0 : i32
    %broadcast_in_dim3A_426 = vector.broadcast %broadcast_in_dim3A_425 : i32 to vector<16xi32>
    %select_n3A_427 = arith.select %eq3A_424, %broadcast_in_dim3A_426, %broadcast_in_dim3A_342 : vector<16xi1>, vector<16xi32>
    %min3A_428 = arith.minsi %broadcast_in_dim3A_342, %select_n3A_427 : vector<16xi32>
    %eq3A_429 = arith.cmpf oeq, %select_n3A_392, %max3A_423 : vector<16xf32>
    %broadcast_in_dim3A_430 = arith.constant 1 : i32
    %broadcast_in_dim3A_431 = vector.broadcast %broadcast_in_dim3A_430 : i32 to vector<16xi32>
    %select_n3A_432 = arith.select %eq3A_429, %broadcast_in_dim3A_431, %broadcast_in_dim3A_342 : vector<16xi1>, vector<16xi32>
    %min3A_433 = arith.minsi %min3A_428, %select_n3A_432 : vector<16xi32>
    %eq3A_434 = arith.cmpf oeq, %select_n3A_396, %max3A_423 : vector<16xf32>
    %broadcast_in_dim3A_435 = arith.constant 2 : i32
    %broadcast_in_dim3A_436 = vector.broadcast %broadcast_in_dim3A_435 : i32 to vector<16xi32>
    %select_n3A_437 = arith.select %eq3A_434, %broadcast_in_dim3A_436, %broadcast_in_dim3A_342 : vector<16xi1>, vector<16xi32>
    %min3A_438 = arith.minsi %min3A_433, %select_n3A_437 : vector<16xi32>
    %eq3A_439 = arith.cmpf oeq, %select_n3A_400, %max3A_423 : vector<16xf32>
    %broadcast_in_dim3A_440 = arith.constant 3 : i32
    %broadcast_in_dim3A_441 = vector.broadcast %broadcast_in_dim3A_440 : i32 to vector<16xi32>
    %select_n3A_442 = arith.select %eq3A_439, %broadcast_in_dim3A_441, %broadcast_in_dim3A_342 : vector<16xi1>, vector<16xi32>
    %min3A_443 = arith.minsi %min3A_438, %select_n3A_442 : vector<16xi32>
    %eq3A_444 = arith.cmpf oeq, %select_n3A_404, %max3A_423 : vector<16xf32>
    %broadcast_in_dim3A_445 = arith.constant 4 : i32
    %broadcast_in_dim3A_446 = vector.broadcast %broadcast_in_dim3A_445 : i32 to vector<16xi32>
    %select_n3A_447 = arith.select %eq3A_444, %broadcast_in_dim3A_446, %broadcast_in_dim3A_342 : vector<16xi1>, vector<16xi32>
    %min3A_448 = arith.minsi %min3A_443, %select_n3A_447 : vector<16xi32>
    %eq3A_449 = arith.cmpf oeq, %select_n3A_408, %max3A_423 : vector<16xf32>
    %broadcast_in_dim3A_450 = arith.constant 5 : i32
    %broadcast_in_dim3A_451 = vector.broadcast %broadcast_in_dim3A_450 : i32 to vector<16xi32>
    %select_n3A_452 = arith.select %eq3A_449, %broadcast_in_dim3A_451, %broadcast_in_dim3A_342 : vector<16xi1>, vector<16xi32>
    %min3A_453 = arith.minsi %min3A_448, %select_n3A_452 : vector<16xi32>
    %eq3A_454 = arith.cmpf oeq, %select_n3A_412, %max3A_423 : vector<16xf32>
    %broadcast_in_dim3A_455 = arith.constant 6 : i32
    %broadcast_in_dim3A_456 = vector.broadcast %broadcast_in_dim3A_455 : i32 to vector<16xi32>
    %select_n3A_457 = arith.select %eq3A_454, %broadcast_in_dim3A_456, %broadcast_in_dim3A_342 : vector<16xi1>, vector<16xi32>
    %min3A_458 = arith.minsi %min3A_453, %select_n3A_457 : vector<16xi32>
    %eq3A_459 = arith.cmpf oeq, %select_n3A_416, %max3A_423 : vector<16xf32>
    %broadcast_in_dim3A_460 = arith.constant 7 : i32
    %broadcast_in_dim3A_461 = vector.broadcast %broadcast_in_dim3A_460 : i32 to vector<16xi32>
    %select_n3A_462 = arith.select %eq3A_459, %broadcast_in_dim3A_461, %broadcast_in_dim3A_342 : vector<16xi1>, vector<16xi32>
    %min3A_463 = arith.minsi %min3A_458, %select_n3A_462 : vector<16xi32>
    %add3A_464 = arith.addf %max3A_340, %max3A_423 : vector<16xf32>
    %div3A_465 = arith.divf %max3A_340, %add3A_464 : vector<16xf32>
    %div3A_466 = arith.divf %max3A_423, %add3A_464 : vector<16xf32>
    %broadcast_in_dim3A_467 = arith.constant 0.000000e+00 : f32
    %broadcast_in_dim3A_468 = vector.broadcast %broadcast_in_dim3A_467 : f32 to vector<16xf32>
    %eq3A_469 = arith.constant 0 : i32
    %eq3A_470 = vector.broadcast %eq3A_469 : i32 to vector<16xi32>
    %eq3A_471 = arith.cmpi eq, %min3A_382, %eq3A_470 : vector<16xi32>
    %eq3A_472 = arith.constant 0 : i32
    %eq3A_473 = vector.broadcast %eq3A_472 : i32 to vector<16xi32>
    %eq3A_474 = arith.cmpi eq, %min3A_463, %eq3A_473 : vector<16xi32>
    %select_n3A_475 = arith.select %eq3A_474, %div3A_466, %broadcast_in_dim3A_468 : vector<16xi1>, vector<16xf32>
    %select_n3A_476 = arith.select %eq3A_471, %div3A_465, %select_n3A_475 : vector<16xi1>, vector<16xf32>
    %swap3A_477 = arith.constant 16 : index
    %swap3A_478 = tpu.vector_load %arg5[%swap3A_477] {strides = array<i32>} : memref<512xf32, #tpu.memory_space<vmem>>, vector<16xf32>,
    %swap3A_479 = vector.shape_cast %swap3A_478 : vector<16xf32> to vector<16xf32>
    %swap3A_480 = vector.shape_cast %select_n3A_476 : vector<16xf32> to vector<16xf32>
    tpu.vector_store %arg5[%swap3A_477], %swap3A_480 {strides = array<i32>} : memref<512xf32, #tpu.memory_space<vmem>>, vector<16xf32>,
    %eq3A_481 = arith.constant 1 : i32
    %eq3A_482 = vector.broadcast %eq3A_481 : i32 to vector<16xi32>
    %eq3A_483 = arith.cmpi eq, %min3A_382, %eq3A_482 : vector<16xi32>
    %eq3A_484 = arith.constant 1 : i32
    %eq3A_485 = vector.broadcast %eq3A_484 : i32 to vector<16xi32>
    %eq3A_486 = arith.cmpi eq, %min3A_463, %eq3A_485 : vector<16xi32>
    %select_n3A_487 = arith.select %eq3A_486, %div3A_466, %broadcast_in_dim3A_468 : vector<16xi1>, vector<16xf32>
    %select_n3A_488 = arith.select %eq3A_483, %div3A_465, %select_n3A_487 : vector<16xi1>, vector<16xf32>
    %swap3A_489 = arith.constant 80 : index
    %swap3A_490 = tpu.vector_load %arg5[%swap3A_489] {strides = array<i32>} : memref<512xf32, #tpu.memory_space<vmem>>, vector<16xf32>,
    %swap3A_491 = vector.shape_cast %swap3A_490 : vector<16xf32> to vector<16xf32>
    %swap3A_492 = vector.shape_cast %select_n3A_488 : vector<16xf32> to vector<16xf32>
    tpu.vector_store %arg5[%swap3A_489], %swap3A_492 {strides = array<i32>} : memref<512xf32, #tpu.memory_space<vmem>>, vector<16xf32>,
    %eq3A_493 = arith.constant 2 : i32
    %eq3A_494 = vector.broadcast %eq3A_493 : i32 to vector<16xi32>
    %eq3A_495 = arith.cmpi eq, %min3A_382, %eq3A_494 : vector<16xi32>
    %eq3A_496 = arith.constant 2 : i32
    %eq3A_497 = vector.broadcast %eq3A_496 : i32 to vector<16xi32>
    %eq3A_498 = arith.cmpi eq, %min3A_463, %eq3A_497 : vector<16xi32>
    %select_n3A_499 = arith.select %eq3A_498, %div3A_466, %broadcast_in_dim3A_468 : vector<16xi1>, vector<16xf32>
    %select_n3A_500 = arith.select %eq3A_495, %div3A_465, %select_n3A_499 : vector<16xi1>, vector<16xf32>
    %swap3A_501 = arith.constant 144 : index
    %swap3A_502 = tpu.vector_load %arg5[%swap3A_501] {strides = array<i32>} : memref<512xf32, #tpu.memory_space<vmem>>, vector<16xf32>,
    %swap3A_503 = vector.shape_cast %swap3A_502 : vector<16xf32> to vector<16xf32>
    %swap3A_504 = vector.shape_cast %select_n3A_500 : vector<16xf32> to vector<16xf32>
    tpu.vector_store %arg5[%swap3A_501], %swap3A_504 {strides = array<i32>} : memref<512xf32, #tpu.memory_space<vmem>>, vector<16xf32>,
    %eq3A_505 = arith.constant 3 : i32
    %eq3A_506 = vector.broadcast %eq3A_505 : i32 to vector<16xi32>
    %eq3A_507 = arith.cmpi eq, %min3A_382, %eq3A_506 : vector<16xi32>
    %eq3A_508 = arith.constant 3 : i32
    %eq3A_509 = vector.broadcast %eq3A_508 : i32 to vector<16xi32>
    %eq3A_510 = arith.cmpi eq, %min3A_463, %eq3A_509 : vector<16xi32>
    %select_n3A_511 = arith.select %eq3A_510, %div3A_466, %broadcast_in_dim3A_468 : vector<16xi1>, vector<16xf32>
    %select_n3A_512 = arith.select %eq3A_507, %div3A_465, %select_n3A_511 : vector<16xi1>, vector<16xf32>
    %swap3A_513 = arith.constant 208 : index
    %swap3A_514 = tpu.vector_load %arg5[%swap3A_513] {strides = array<i32>} : memref<512xf32, #tpu.memory_space<vmem>>, vector<16xf32>,
    %swap3A_515 = vector.shape_cast %swap3A_514 : vector<16xf32> to vector<16xf32>
    %swap3A_516 = vector.shape_cast %select_n3A_512 : vector<16xf32> to vector<16xf32>
    tpu.vector_store %arg5[%swap3A_513], %swap3A_516 {strides = array<i32>} : memref<512xf32, #tpu.memory_space<vmem>>, vector<16xf32>,
    %eq3A_517 = arith.constant 4 : i32
    %eq3A_518 = vector.broadcast %eq3A_517 : i32 to vector<16xi32>
    %eq3A_519 = arith.cmpi eq, %min3A_382, %eq3A_518 : vector<16xi32>
    %eq3A_520 = arith.constant 4 : i32
    %eq3A_521 = vector.broadcast %eq3A_520 : i32 to vector<16xi32>
    %eq3A_522 = arith.cmpi eq, %min3A_463, %eq3A_521 : vector<16xi32>
    %select_n3A_523 = arith.select %eq3A_522, %div3A_466, %broadcast_in_dim3A_468 : vector<16xi1>, vector<16xf32>
    %select_n3A_524 = arith.select %eq3A_519, %div3A_465, %select_n3A_523 : vector<16xi1>, vector<16xf32>
    %swap3A_525 = arith.constant 272 : index
    %swap3A_526 = tpu.vector_load %arg5[%swap3A_525] {strides = array<i32>} : memref<512xf32, #tpu.memory_space<vmem>>, vector<16xf32>,
    %swap3A_527 = vector.shape_cast %swap3A_526 : vector<16xf32> to vector<16xf32>
    %swap3A_528 = vector.shape_cast %select_n3A_524 : vector<16xf32> to vector<16xf32>
    tpu.vector_store %arg5[%swap3A_525], %swap3A_528 {strides = array<i32>} : memref<512xf32, #tpu.memory_space<vmem>>, vector<16xf32>,
    %eq3A_529 = arith.constant 5 : i32
    %eq3A_530 = vector.broadcast %eq3A_529 : i32 to vector<16xi32>
    %eq3A_531 = arith.cmpi eq, %min3A_382, %eq3A_530 : vector<16xi32>
    %eq3A_532 = arith.constant 5 : i32
    %eq3A_533 = vector.broadcast %eq3A_532 : i32 to vector<16xi32>
    %eq3A_534 = arith.cmpi eq, %min3A_463, %eq3A_533 : vector<16xi32>
    %select_n3A_535 = arith.select %eq3A_534, %div3A_466, %broadcast_in_dim3A_468 : vector<16xi1>, vector<16xf32>
    %select_n3A_536 = arith.select %eq3A_531, %div3A_465, %select_n3A_535 : vector<16xi1>, vector<16xf32>
    %swap3A_537 = arith.constant 336 : index
    %swap3A_538 = tpu.vector_load %arg5[%swap3A_537] {strides = array<i32>} : memref<512xf32, #tpu.memory_space<vmem>>, vector<16xf32>,
    %swap3A_539 = vector.shape_cast %swap3A_538 : vector<16xf32> to vector<16xf32>
    %swap3A_540 = vector.shape_cast %select_n3A_536 : vector<16xf32> to vector<16xf32>
    tpu.vector_store %arg5[%swap3A_537], %swap3A_540 {strides = array<i32>} : memref<512xf32, #tpu.memory_space<vmem>>, vector<16xf32>,
    %eq3A_541 = arith.constant 6 : i32
    %eq3A_542 = vector.broadcast %eq3A_541 : i32 to vector<16xi32>
    %eq3A_543 = arith.cmpi eq, %min3A_382, %eq3A_542 : vector<16xi32>
    %eq3A_544 = arith.constant 6 : i32
    %eq3A_545 = vector.broadcast %eq3A_544 : i32 to vector<16xi32>
    %eq3A_546 = arith.cmpi eq, %min3A_463, %eq3A_545 : vector<16xi32>
    %select_n3A_547 = arith.select %eq3A_546, %div3A_466, %broadcast_in_dim3A_468 : vector<16xi1>, vector<16xf32>
    %select_n3A_548 = arith.select %eq3A_543, %div3A_465, %select_n3A_547 : vector<16xi1>, vector<16xf32>
    %swap3A_549 = arith.constant 400 : index
    %swap3A_550 = tpu.vector_load %arg5[%swap3A_549] {strides = array<i32>} : memref<512xf32, #tpu.memory_space<vmem>>, vector<16xf32>,
    %swap3A_551 = vector.shape_cast %swap3A_550 : vector<16xf32> to vector<16xf32>
    %swap3A_552 = vector.shape_cast %select_n3A_548 : vector<16xf32> to vector<16xf32>
    tpu.vector_store %arg5[%swap3A_549], %swap3A_552 {strides = array<i32>} : memref<512xf32, #tpu.memory_space<vmem>>, vector<16xf32>,
    %eq3A_553 = arith.constant 7 : i32
    %eq3A_554 = vector.broadcast %eq3A_553 : i32 to vector<16xi32>
    %eq3A_555 = arith.cmpi eq, %min3A_382, %eq3A_554 : vector<16xi32>
    %eq3A_556 = arith.constant 7 : i32
    %eq3A_557 = vector.broadcast %eq3A_556 : i32 to vector<16xi32>
    %eq3A_558 = arith.cmpi eq, %min3A_463, %eq3A_557 : vector<16xi32>
    %select_n3A_559 = arith.select %eq3A_558, %div3A_466, %broadcast_in_dim3A_468 : vector<16xi1>, vector<16xf32>
    %select_n3A_560 = arith.select %eq3A_555, %div3A_465, %select_n3A_559 : vector<16xi1>, vector<16xf32>
    %swap3A_561 = arith.constant 464 : index
    %swap3A_562 = tpu.vector_load %arg5[%swap3A_561] {strides = array<i32>} : memref<512xf32, #tpu.memory_space<vmem>>, vector<16xf32>,
    %swap3A_563 = vector.shape_cast %swap3A_562 : vector<16xf32> to vector<16xf32>
    %swap3A_564 = vector.shape_cast %select_n3A_560 : vector<16xf32> to vector<16xf32>
    tpu.vector_store %arg5[%swap3A_561], %swap3A_564 {strides = array<i32>} : memref<512xf32, #tpu.memory_space<vmem>>, vector<16xf32>,
    %get3A_565 = arith.constant 32 : index
    %get3A_566 = tpu.vector_load %arg4[%get3A_565] {strides = array<i32>} : memref<512xf32, #tpu.memory_space<vmem>>, vector<16xf32>,
    %get3A_567 = vector.shape_cast %get3A_566 : vector<16xf32> to vector<16xf32>
    %get3A_568 = arith.constant 96 : index
    %get3A_569 = tpu.vector_load %arg4[%get3A_568] {strides = array<i32>} : memref<512xf32, #tpu.memory_space<vmem>>, vector<16xf32>,
    %get3A_570 = vector.shape_cast %get3A_569 : vector<16xf32> to vector<16xf32>
    %get3A_571 = arith.constant 160 : index
    %get3A_572 = tpu.vector_load %arg4[%get3A_571] {strides = array<i32>} : memref<512xf32, #tpu.memory_space<vmem>>, vector<16xf32>,
    %get3A_573 = vector.shape_cast %get3A_572 : vector<16xf32> to vector<16xf32>
    %get3A_574 = arith.constant 224 : index
    %get3A_575 = tpu.vector_load %arg4[%get3A_574] {strides = array<i32>} : memref<512xf32, #tpu.memory_space<vmem>>, vector<16xf32>,
    %get3A_576 = vector.shape_cast %get3A_575 : vector<16xf32> to vector<16xf32>
    %get3A_577 = arith.constant 288 : index
    %get3A_578 = tpu.vector_load %arg4[%get3A_577] {strides = array<i32>} : memref<512xf32, #tpu.memory_space<vmem>>, vector<16xf32>,
    %get3A_579 = vector.shape_cast %get3A_578 : vector<16xf32> to vector<16xf32>
    %get3A_580 = arith.constant 352 : index
    %get3A_581 = tpu.vector_load %arg4[%get3A_580] {strides = array<i32>} : memref<512xf32, #tpu.memory_space<vmem>>, vector<16xf32>,
    %get3A_582 = vector.shape_cast %get3A_581 : vector<16xf32> to vector<16xf32>
    %get3A_583 = arith.constant 416 : index
    %get3A_584 = tpu.vector_load %arg4[%get3A_583] {strides = array<i32>} : memref<512xf32, #tpu.memory_space<vmem>>, vector<16xf32>,
    %get3A_585 = vector.shape_cast %get3A_584 : vector<16xf32> to vector<16xf32>
    %get3A_586 = arith.constant 480 : index
    %get3A_587 = tpu.vector_load %arg4[%get3A_586] {strides = array<i32>} : memref<512xf32, #tpu.memory_space<vmem>>, vector<16xf32>,
    %get3A_588 = vector.shape_cast %get3A_587 : vector<16xf32> to vector<16xf32>
    %max3A_589 = arith.maximumf %get3A_567, %get3A_570 : vector<16xf32>
    %max3A_590 = arith.maximumf %max3A_589, %get3A_573 : vector<16xf32>
    %max3A_591 = arith.maximumf %max3A_590, %get3A_576 : vector<16xf32>
    %max3A_592 = arith.maximumf %max3A_591, %get3A_579 : vector<16xf32>
    %max3A_593 = arith.maximumf %max3A_592, %get3A_582 : vector<16xf32>
    %max3A_594 = arith.maximumf %max3A_593, %get3A_585 : vector<16xf32>
    %max3A_595 = arith.maximumf %max3A_594, %get3A_588 : vector<16xf32>
    %sub3A_596 = arith.subf %get3A_567, %max3A_595 : vector<16xf32>
    %exp3A_597 = math.exp %sub3A_596 : vector<16xf32>
    %sub3A_598 = arith.subf %get3A_570, %max3A_595 : vector<16xf32>
    %exp3A_599 = math.exp %sub3A_598 : vector<16xf32>
    %sub3A_600 = arith.subf %get3A_573, %max3A_595 : vector<16xf32>
    %exp3A_601 = math.exp %sub3A_600 : vector<16xf32>
    %sub3A_602 = arith.subf %get3A_576, %max3A_595 : vector<16xf32>
    %exp3A_603 = math.exp %sub3A_602 : vector<16xf32>
    %sub3A_604 = arith.subf %get3A_579, %max3A_595 : vector<16xf32>
    %exp3A_605 = math.exp %sub3A_604 : vector<16xf32>
    %sub3A_606 = arith.subf %get3A_582, %max3A_595 : vector<16xf32>
    %exp3A_607 = math.exp %sub3A_606 : vector<16xf32>
    %sub3A_608 = arith.subf %get3A_585, %max3A_595 : vector<16xf32>
    %exp3A_609 = math.exp %sub3A_608 : vector<16xf32>
    %sub3A_610 = arith.subf %get3A_588, %max3A_595 : vector<16xf32>
    %exp3A_611 = math.exp %sub3A_610 : vector<16xf32>
    %max3A_612 = arith.maximumf %exp3A_597, %exp3A_599 : vector<16xf32>
    %max3A_613 = arith.maximumf %max3A_612, %exp3A_601 : vector<16xf32>
    %max3A_614 = arith.maximumf %max3A_613, %exp3A_603 : vector<16xf32>
    %max3A_615 = arith.maximumf %max3A_614, %exp3A_605 : vector<16xf32>
    %max3A_616 = arith.maximumf %max3A_615, %exp3A_607 : vector<16xf32>
    %max3A_617 = arith.maximumf %max3A_616, %exp3A_609 : vector<16xf32>
    %max3A_618 = arith.maximumf %max3A_617, %exp3A_611 : vector<16xf32>
    %broadcast_in_dim3A_619 = arith.constant 8 : i32
    %broadcast_in_dim3A_620 = vector.broadcast %broadcast_in_dim3A_619 : i32 to vector<16xi32>
    %eq3A_621 = arith.cmpf oeq, %exp3A_597, %max3A_618 : vector<16xf32>
    %broadcast_in_dim3A_622 = arith.constant 0 : i32
    %broadcast_in_dim3A_623 = vector.broadcast %broadcast_in_dim3A_622 : i32 to vector<16xi32>
    %select_n3A_624 = arith.select %eq3A_621, %broadcast_in_dim3A_623, %broadcast_in_dim3A_620 : vector<16xi1>, vector<16xi32>
    %min3A_625 = arith.minsi %broadcast_in_dim3A_620, %select_n3A_624 : vector<16xi32>
    %eq3A_626 = arith.cmpf oeq, %exp3A_599, %max3A_618 : vector<16xf32>
    %broadcast_in_dim3A_627 = arith.constant 1 : i32
    %broadcast_in_dim3A_628 = vector.broadcast %broadcast_in_dim3A_627 : i32 to vector<16xi32>
    %select_n3A_629 = arith.select %eq3A_626, %broadcast_in_dim3A_628, %broadcast_in_dim3A_620 : vector<16xi1>, vector<16xi32>
    %min3A_630 = arith.minsi %min3A_625, %select_n3A_629 : vector<16xi32>
    %eq3A_631 = arith.cmpf oeq, %exp3A_601, %max3A_618 : vector<16xf32>
    %broadcast_in_dim3A_632 = arith.constant 2 : i32
    %broadcast_in_dim3A_633 = vector.broadcast %broadcast_in_dim3A_632 : i32 to vector<16xi32>
    %select_n3A_634 = arith.select %eq3A_631, %broadcast_in_dim3A_633, %broadcast_in_dim3A_620 : vector<16xi1>, vector<16xi32>
    %min3A_635 = arith.minsi %min3A_630, %select_n3A_634 : vector<16xi32>
    %eq3A_636 = arith.cmpf oeq, %exp3A_603, %max3A_618 : vector<16xf32>
    %broadcast_in_dim3A_637 = arith.constant 3 : i32
    %broadcast_in_dim3A_638 = vector.broadcast %broadcast_in_dim3A_637 : i32 to vector<16xi32>
    %select_n3A_639 = arith.select %eq3A_636, %broadcast_in_dim3A_638, %broadcast_in_dim3A_620 : vector<16xi1>, vector<16xi32>
    %min3A_640 = arith.minsi %min3A_635, %select_n3A_639 : vector<16xi32>
    %eq3A_641 = arith.cmpf oeq, %exp3A_605, %max3A_618 : vector<16xf32>
    %broadcast_in_dim3A_642 = arith.constant 4 : i32
    %broadcast_in_dim3A_643 = vector.broadcast %broadcast_in_dim3A_642 : i32 to vector<16xi32>
    %select_n3A_644 = arith.select %eq3A_641, %broadcast_in_dim3A_643, %broadcast_in_dim3A_620 : vector<16xi1>, vector<16xi32>
    %min3A_645 = arith.minsi %min3A_640, %select_n3A_644 : vector<16xi32>
    %eq3A_646 = arith.cmpf oeq, %exp3A_607, %max3A_618 : vector<16xf32>
    %broadcast_in_dim3A_647 = arith.constant 5 : i32
    %broadcast_in_dim3A_648 = vector.broadcast %broadcast_in_dim3A_647 : i32 to vector<16xi32>
    %select_n3A_649 = arith.select %eq3A_646, %broadcast_in_dim3A_648, %broadcast_in_dim3A_620 : vector<16xi1>, vector<16xi32>
    %min3A_650 = arith.minsi %min3A_645, %select_n3A_649 : vector<16xi32>
    %eq3A_651 = arith.cmpf oeq, %exp3A_609, %max3A_618 : vector<16xf32>
    %broadcast_in_dim3A_652 = arith.constant 6 : i32
    %broadcast_in_dim3A_653 = vector.broadcast %broadcast_in_dim3A_652 : i32 to vector<16xi32>
    %select_n3A_654 = arith.select %eq3A_651, %broadcast_in_dim3A_653, %broadcast_in_dim3A_620 : vector<16xi1>, vector<16xi32>
    %min3A_655 = arith.minsi %min3A_650, %select_n3A_654 : vector<16xi32>
    %eq3A_656 = arith.cmpf oeq, %exp3A_611, %max3A_618 : vector<16xf32>
    %broadcast_in_dim3A_657 = arith.constant 7 : i32
    %broadcast_in_dim3A_658 = vector.broadcast %broadcast_in_dim3A_657 : i32 to vector<16xi32>
    %select_n3A_659 = arith.select %eq3A_656, %broadcast_in_dim3A_658, %broadcast_in_dim3A_620 : vector<16xi1>, vector<16xi32>
    %min3A_660 = arith.minsi %min3A_655, %select_n3A_659 : vector<16xi32>
    %broadcast_in_dim3A_661 = arith.constant 0xFF800000 : f32
    %broadcast_in_dim3A_662 = vector.broadcast %broadcast_in_dim3A_661 : f32 to vector<16xf32>
    %eq3A_663 = arith.constant 0 : i32
    %eq3A_664 = vector.broadcast %eq3A_663 : i32 to vector<16xi32>
    %eq3A_665 = arith.cmpi eq, %min3A_660, %eq3A_664 : vector<16xi32>
    %select_n3A_666 = arith.select %eq3A_665, %broadcast_in_dim3A_662, %exp3A_597 : vector<16xi1>, vector<16xf32>
    %eq3A_667 = arith.constant 1 : i32
    %eq3A_668 = vector.broadcast %eq3A_667 : i32 to vector<16xi32>
    %eq3A_669 = arith.cmpi eq, %min3A_660, %eq3A_668 : vector<16xi32>
    %select_n3A_670 = arith.select %eq3A_669, %broadcast_in_dim3A_662, %exp3A_599 : vector<16xi1>, vector<16xf32>
    %eq3A_671 = arith.constant 2 : i32
    %eq3A_672 = vector.broadcast %eq3A_671 : i32 to vector<16xi32>
    %eq3A_673 = arith.cmpi eq, %min3A_660, %eq3A_672 : vector<16xi32>
    %select_n3A_674 = arith.select %eq3A_673, %broadcast_in_dim3A_662, %exp3A_601 : vector<16xi1>, vector<16xf32>
    %eq3A_675 = arith.constant 3 : i32
    %eq3A_676 = vector.broadcast %eq3A_675 : i32 to vector<16xi32>
    %eq3A_677 = arith.cmpi eq, %min3A_660, %eq3A_676 : vector<16xi32>
    %select_n3A_678 = arith.select %eq3A_677, %broadcast_in_dim3A_662, %exp3A_603 : vector<16xi1>, vector<16xf32>
    %eq3A_679 = arith.constant 4 : i32
    %eq3A_680 = vector.broadcast %eq3A_679 : i32 to vector<16xi32>
    %eq3A_681 = arith.cmpi eq, %min3A_660, %eq3A_680 : vector<16xi32>
    %select_n3A_682 = arith.select %eq3A_681, %broadcast_in_dim3A_662, %exp3A_605 : vector<16xi1>, vector<16xf32>
    %eq3A_683 = arith.constant 5 : i32
    %eq3A_684 = vector.broadcast %eq3A_683 : i32 to vector<16xi32>
    %eq3A_685 = arith.cmpi eq, %min3A_660, %eq3A_684 : vector<16xi32>
    %select_n3A_686 = arith.select %eq3A_685, %broadcast_in_dim3A_662, %exp3A_607 : vector<16xi1>, vector<16xf32>
    %eq3A_687 = arith.constant 6 : i32
    %eq3A_688 = vector.broadcast %eq3A_687 : i32 to vector<16xi32>
    %eq3A_689 = arith.cmpi eq, %min3A_660, %eq3A_688 : vector<16xi32>
    %select_n3A_690 = arith.select %eq3A_689, %broadcast_in_dim3A_662, %exp3A_609 : vector<16xi1>, vector<16xf32>
    %eq3A_691 = arith.constant 7 : i32
    %eq3A_692 = vector.broadcast %eq3A_691 : i32 to vector<16xi32>
    %eq3A_693 = arith.cmpi eq, %min3A_660, %eq3A_692 : vector<16xi32>
    %select_n3A_694 = arith.select %eq3A_693, %broadcast_in_dim3A_662, %exp3A_611 : vector<16xi1>, vector<16xf32>
    %max3A_695 = arith.maximumf %select_n3A_666, %select_n3A_670 : vector<16xf32>
    %max3A_696 = arith.maximumf %max3A_695, %select_n3A_674 : vector<16xf32>
    %max3A_697 = arith.maximumf %max3A_696, %select_n3A_678 : vector<16xf32>
    %max3A_698 = arith.maximumf %max3A_697, %select_n3A_682 : vector<16xf32>
    %max3A_699 = arith.maximumf %max3A_698, %select_n3A_686 : vector<16xf32>
    %max3A_700 = arith.maximumf %max3A_699, %select_n3A_690 : vector<16xf32>
    %max3A_701 = arith.maximumf %max3A_700, %select_n3A_694 : vector<16xf32>
    %eq3A_702 = arith.cmpf oeq, %select_n3A_666, %max3A_701 : vector<16xf32>
    %broadcast_in_dim3A_703 = arith.constant 0 : i32
    %broadcast_in_dim3A_704 = vector.broadcast %broadcast_in_dim3A_703 : i32 to vector<16xi32>
    %select_n3A_705 = arith.select %eq3A_702, %broadcast_in_dim3A_704, %broadcast_in_dim3A_620 : vector<16xi1>, vector<16xi32>
    %min3A_706 = arith.minsi %broadcast_in_dim3A_620, %select_n3A_705 : vector<16xi32>
    %eq3A_707 = arith.cmpf oeq, %select_n3A_670, %max3A_701 : vector<16xf32>
    %broadcast_in_dim3A_708 = arith.constant 1 : i32
    %broadcast_in_dim3A_709 = vector.broadcast %broadcast_in_dim3A_708 : i32 to vector<16xi32>
    %select_n3A_710 = arith.select %eq3A_707, %broadcast_in_dim3A_709, %broadcast_in_dim3A_620 : vector<16xi1>, vector<16xi32>
    %min3A_711 = arith.minsi %min3A_706, %select_n3A_710 : vector<16xi32>
    %eq3A_712 = arith.cmpf oeq, %select_n3A_674, %max3A_701 : vector<16xf32>
    %broadcast_in_dim3A_713 = arith.constant 2 : i32
    %broadcast_in_dim3A_714 = vector.broadcast %broadcast_in_dim3A_713 : i32 to vector<16xi32>
    %select_n3A_715 = arith.select %eq3A_712, %broadcast_in_dim3A_714, %broadcast_in_dim3A_620 : vector<16xi1>, vector<16xi32>
    %min3A_716 = arith.minsi %min3A_711, %select_n3A_715 : vector<16xi32>
    %eq3A_717 = arith.cmpf oeq, %select_n3A_678, %max3A_701 : vector<16xf32>
    %broadcast_in_dim3A_718 = arith.constant 3 : i32
    %broadcast_in_dim3A_719 = vector.broadcast %broadcast_in_dim3A_718 : i32 to vector<16xi32>
    %select_n3A_720 = arith.select %eq3A_717, %broadcast_in_dim3A_719, %broadcast_in_dim3A_620 : vector<16xi1>, vector<16xi32>
    %min3A_721 = arith.minsi %min3A_716, %select_n3A_720 : vector<16xi32>
    %eq3A_722 = arith.cmpf oeq, %select_n3A_682, %max3A_701 : vector<16xf32>
    %broadcast_in_dim3A_723 = arith.constant 4 : i32
    %broadcast_in_dim3A_724 = vector.broadcast %broadcast_in_dim3A_723 : i32 to vector<16xi32>
    %select_n3A_725 = arith.select %eq3A_722, %broadcast_in_dim3A_724, %broadcast_in_dim3A_620 : vector<16xi1>, vector<16xi32>
    %min3A_726 = arith.minsi %min3A_721, %select_n3A_725 : vector<16xi32>
    %eq3A_727 = arith.cmpf oeq, %select_n3A_686, %max3A_701 : vector<16xf32>
    %broadcast_in_dim3A_728 = arith.constant 5 : i32
    %broadcast_in_dim3A_729 = vector.broadcast %broadcast_in_dim3A_728 : i32 to vector<16xi32>
    %select_n3A_730 = arith.select %eq3A_727, %broadcast_in_dim3A_729, %broadcast_in_dim3A_620 : vector<16xi1>, vector<16xi32>
    %min3A_731 = arith.minsi %min3A_726, %select_n3A_730 : vector<16xi32>
    %eq3A_732 = arith.cmpf oeq, %select_n3A_690, %max3A_701 : vector<16xf32>
    %broadcast_in_dim3A_733 = arith.constant 6 : i32
    %broadcast_in_dim3A_734 = vector.broadcast %broadcast_in_dim3A_733 : i32 to vector<16xi32>
    %select_n3A_735 = arith.select %eq3A_732, %broadcast_in_dim3A_734, %broadcast_in_dim3A_620 : vector<16xi1>, vector<16xi32>
    %min3A_736 = arith.minsi %min3A_731, %select_n3A_735 : vector<16xi32>
    %eq3A_737 = arith.cmpf oeq, %select_n3A_694, %max3A_701 : vector<16xf32>
    %broadcast_in_dim3A_738 = arith.constant 7 : i32
    %broadcast_in_dim3A_739 = vector.broadcast %broadcast_in_dim3A_738 : i32 to vector<16xi32>
    %select_n3A_740 = arith.select %eq3A_737, %broadcast_in_dim3A_739, %broadcast_in_dim3A_620 : vector<16xi1>, vector<16xi32>
    %min3A_741 = arith.minsi %min3A_736, %select_n3A_740 : vector<16xi32>
    %add3A_742 = arith.addf %max3A_618, %max3A_701 : vector<16xf32>
    %div3A_743 = arith.divf %max3A_618, %add3A_742 : vector<16xf32>
    %div3A_744 = arith.divf %max3A_701, %add3A_742 : vector<16xf32>
    %broadcast_in_dim3A_745 = arith.constant 0.000000e+00 : f32
    %broadcast_in_dim3A_746 = vector.broadcast %broadcast_in_dim3A_745 : f32 to vector<16xf32>
    %eq3A_747 = arith.constant 0 : i32
    %eq3A_748 = vector.broadcast %eq3A_747 : i32 to vector<16xi32>
    %eq3A_749 = arith.cmpi eq, %min3A_660, %eq3A_748 : vector<16xi32>
    %eq3A_750 = arith.constant 0 : i32
    %eq3A_751 = vector.broadcast %eq3A_750 : i32 to vector<16xi32>
    %eq3A_752 = arith.cmpi eq, %min3A_741, %eq3A_751 : vector<16xi32>
    %select_n3A_753 = arith.select %eq3A_752, %div3A_744, %broadcast_in_dim3A_746 : vector<16xi1>, vector<16xf32>
    %select_n3A_754 = arith.select %eq3A_749, %div3A_743, %select_n3A_753 : vector<16xi1>, vector<16xf32>
    %swap3A_755 = arith.constant 32 : index
    %swap3A_756 = tpu.vector_load %arg5[%swap3A_755] {strides = array<i32>} : memref<512xf32, #tpu.memory_space<vmem>>, vector<16xf32>,
    %swap3A_757 = vector.shape_cast %swap3A_756 : vector<16xf32> to vector<16xf32>
    %swap3A_758 = vector.shape_cast %select_n3A_754 : vector<16xf32> to vector<16xf32>
    tpu.vector_store %arg5[%swap3A_755], %swap3A_758 {strides = array<i32>} : memref<512xf32, #tpu.memory_space<vmem>>, vector<16xf32>,
    %eq3A_759 = arith.constant 1 : i32
    %eq3A_760 = vector.broadcast %eq3A_759 : i32 to vector<16xi32>
    %eq3A_761 = arith.cmpi eq, %min3A_660, %eq3A_760 : vector<16xi32>
    %eq3A_762 = arith.constant 1 : i32
    %eq3A_763 = vector.broadcast %eq3A_762 : i32 to vector<16xi32>
    %eq3A_764 = arith.cmpi eq, %min3A_741, %eq3A_763 : vector<16xi32>
    %select_n3A_765 = arith.select %eq3A_764, %div3A_744, %broadcast_in_dim3A_746 : vector<16xi1>, vector<16xf32>
    %select_n3A_766 = arith.select %eq3A_761, %div3A_743, %select_n3A_765 : vector<16xi1>, vector<16xf32>
    %swap3A_767 = arith.constant 96 : index
    %swap3A_768 = tpu.vector_load %arg5[%swap3A_767] {strides = array<i32>} : memref<512xf32, #tpu.memory_space<vmem>>, vector<16xf32>,
    %swap3A_769 = vector.shape_cast %swap3A_768 : vector<16xf32> to vector<16xf32>
    %swap3A_770 = vector.shape_cast %select_n3A_766 : vector<16xf32> to vector<16xf32>
    tpu.vector_store %arg5[%swap3A_767], %swap3A_770 {strides = array<i32>} : memref<512xf32, #tpu.memory_space<vmem>>, vector<16xf32>,
    %eq3A_771 = arith.constant 2 : i32
    %eq3A_772 = vector.broadcast %eq3A_771 : i32 to vector<16xi32>
    %eq3A_773 = arith.cmpi eq, %min3A_660, %eq3A_772 : vector<16xi32>
    %eq3A_774 = arith.constant 2 : i32
    %eq3A_775 = vector.broadcast %eq3A_774 : i32 to vector<16xi32>
    %eq3A_776 = arith.cmpi eq, %min3A_741, %eq3A_775 : vector<16xi32>
    %select_n3A_777 = arith.select %eq3A_776, %div3A_744, %broadcast_in_dim3A_746 : vector<16xi1>, vector<16xf32>
    %select_n3A_778 = arith.select %eq3A_773, %div3A_743, %select_n3A_777 : vector<16xi1>, vector<16xf32>
    %swap3A_779 = arith.constant 160 : index
    %swap3A_780 = tpu.vector_load %arg5[%swap3A_779] {strides = array<i32>} : memref<512xf32, #tpu.memory_space<vmem>>, vector<16xf32>,
    %swap3A_781 = vector.shape_cast %swap3A_780 : vector<16xf32> to vector<16xf32>
    %swap3A_782 = vector.shape_cast %select_n3A_778 : vector<16xf32> to vector<16xf32>
    tpu.vector_store %arg5[%swap3A_779], %swap3A_782 {strides = array<i32>} : memref<512xf32, #tpu.memory_space<vmem>>, vector<16xf32>,
    %eq3A_783 = arith.constant 3 : i32
    %eq3A_784 = vector.broadcast %eq3A_783 : i32 to vector<16xi32>
    %eq3A_785 = arith.cmpi eq, %min3A_660, %eq3A_784 : vector<16xi32>
    %eq3A_786 = arith.constant 3 : i32
    %eq3A_787 = vector.broadcast %eq3A_786 : i32 to vector<16xi32>
    %eq3A_788 = arith.cmpi eq, %min3A_741, %eq3A_787 : vector<16xi32>
    %select_n3A_789 = arith.select %eq3A_788, %div3A_744, %broadcast_in_dim3A_746 : vector<16xi1>, vector<16xf32>
    %select_n3A_790 = arith.select %eq3A_785, %div3A_743, %select_n3A_789 : vector<16xi1>, vector<16xf32>
    %swap3A_791 = arith.constant 224 : index
    %swap3A_792 = tpu.vector_load %arg5[%swap3A_791] {strides = array<i32>} : memref<512xf32, #tpu.memory_space<vmem>>, vector<16xf32>,
    %swap3A_793 = vector.shape_cast %swap3A_792 : vector<16xf32> to vector<16xf32>
    %swap3A_794 = vector.shape_cast %select_n3A_790 : vector<16xf32> to vector<16xf32>
    tpu.vector_store %arg5[%swap3A_791], %swap3A_794 {strides = array<i32>} : memref<512xf32, #tpu.memory_space<vmem>>, vector<16xf32>,
    %eq3A_795 = arith.constant 4 : i32
    %eq3A_796 = vector.broadcast %eq3A_795 : i32 to vector<16xi32>
    %eq3A_797 = arith.cmpi eq, %min3A_660, %eq3A_796 : vector<16xi32>
    %eq3A_798 = arith.constant 4 : i32
    %eq3A_799 = vector.broadcast %eq3A_798 : i32 to vector<16xi32>
    %eq3A_800 = arith.cmpi eq, %min3A_741, %eq3A_799 : vector<16xi32>
    %select_n3A_801 = arith.select %eq3A_800, %div3A_744, %broadcast_in_dim3A_746 : vector<16xi1>, vector<16xf32>
    %select_n3A_802 = arith.select %eq3A_797, %div3A_743, %select_n3A_801 : vector<16xi1>, vector<16xf32>
    %swap3A_803 = arith.constant 288 : index
    %swap3A_804 = tpu.vector_load %arg5[%swap3A_803] {strides = array<i32>} : memref<512xf32, #tpu.memory_space<vmem>>, vector<16xf32>,
    %swap3A_805 = vector.shape_cast %swap3A_804 : vector<16xf32> to vector<16xf32>
    %swap3A_806 = vector.shape_cast %select_n3A_802 : vector<16xf32> to vector<16xf32>
    tpu.vector_store %arg5[%swap3A_803], %swap3A_806 {strides = array<i32>} : memref<512xf32, #tpu.memory_space<vmem>>, vector<16xf32>,
    %eq3A_807 = arith.constant 5 : i32
    %eq3A_808 = vector.broadcast %eq3A_807 : i32 to vector<16xi32>
    %eq3A_809 = arith.cmpi eq, %min3A_660, %eq3A_808 : vector<16xi32>
    %eq3A_810 = arith.constant 5 : i32
    %eq3A_811 = vector.broadcast %eq3A_810 : i32 to vector<16xi32>
    %eq3A_812 = arith.cmpi eq, %min3A_741, %eq3A_811 : vector<16xi32>
    %select_n3A_813 = arith.select %eq3A_812, %div3A_744, %broadcast_in_dim3A_746 : vector<16xi1>, vector<16xf32>
    %select_n3A_814 = arith.select %eq3A_809, %div3A_743, %select_n3A_813 : vector<16xi1>, vector<16xf32>
    %swap3A_815 = arith.constant 352 : index
    %swap3A_816 = tpu.vector_load %arg5[%swap3A_815] {strides = array<i32>} : memref<512xf32, #tpu.memory_space<vmem>>, vector<16xf32>,
    %swap3A_817 = vector.shape_cast %swap3A_816 : vector<16xf32> to vector<16xf32>
    %swap3A_818 = vector.shape_cast %select_n3A_814 : vector<16xf32> to vector<16xf32>
    tpu.vector_store %arg5[%swap3A_815], %swap3A_818 {strides = array<i32>} : memref<512xf32, #tpu.memory_space<vmem>>, vector<16xf32>,
    %eq3A_819 = arith.constant 6 : i32
    %eq3A_820 = vector.broadcast %eq3A_819 : i32 to vector<16xi32>
    %eq3A_821 = arith.cmpi eq, %min3A_660, %eq3A_820 : vector<16xi32>
    %eq3A_822 = arith.constant 6 : i32
    %eq3A_823 = vector.broadcast %eq3A_822 : i32 to vector<16xi32>
    %eq3A_824 = arith.cmpi eq, %min3A_741, %eq3A_823 : vector<16xi32>
    %select_n3A_825 = arith.select %eq3A_824, %div3A_744, %broadcast_in_dim3A_746 : vector<16xi1>, vector<16xf32>
    %select_n3A_826 = arith.select %eq3A_821, %div3A_743, %select_n3A_825 : vector<16xi1>, vector<16xf32>
    %swap3A_827 = arith.constant 416 : index
    %swap3A_828 = tpu.vector_load %arg5[%swap3A_827] {strides = array<i32>} : memref<512xf32, #tpu.memory_space<vmem>>, vector<16xf32>,
    %swap3A_829 = vector.shape_cast %swap3A_828 : vector<16xf32> to vector<16xf32>
    %swap3A_830 = vector.shape_cast %select_n3A_826 : vector<16xf32> to vector<16xf32>
    tpu.vector_store %arg5[%swap3A_827], %swap3A_830 {strides = array<i32>} : memref<512xf32, #tpu.memory_space<vmem>>, vector<16xf32>,
    %eq3A_831 = arith.constant 7 : i32
    %eq3A_832 = vector.broadcast %eq3A_831 : i32 to vector<16xi32>
    %eq3A_833 = arith.cmpi eq, %min3A_660, %eq3A_832 : vector<16xi32>
    %eq3A_834 = arith.constant 7 : i32
    %eq3A_835 = vector.broadcast %eq3A_834 : i32 to vector<16xi32>
    %eq3A_836 = arith.cmpi eq, %min3A_741, %eq3A_835 : vector<16xi32>
    %select_n3A_837 = arith.select %eq3A_836, %div3A_744, %broadcast_in_dim3A_746 : vector<16xi1>, vector<16xf32>
    %select_n3A_838 = arith.select %eq3A_833, %div3A_743, %select_n3A_837 : vector<16xi1>, vector<16xf32>
    %swap3A_839 = arith.constant 480 : index
    %swap3A_840 = tpu.vector_load %arg5[%swap3A_839] {strides = array<i32>} : memref<512xf32, #tpu.memory_space<vmem>>, vector<16xf32>,
    %swap3A_841 = vector.shape_cast %swap3A_840 : vector<16xf32> to vector<16xf32>
    %swap3A_842 = vector.shape_cast %select_n3A_838 : vector<16xf32> to vector<16xf32>
    tpu.vector_store %arg5[%swap3A_839], %swap3A_842 {strides = array<i32>} : memref<512xf32, #tpu.memory_space<vmem>>, vector<16xf32>,
    %get3A_843 = arith.constant 48 : index
    %get3A_844 = tpu.vector_load %arg4[%get3A_843] {strides = array<i32>} : memref<512xf32, #tpu.memory_space<vmem>>, vector<16xf32>,
    %get3A_845 = vector.shape_cast %get3A_844 : vector<16xf32> to vector<16xf32>
    %get3A_846 = arith.constant 112 : index
    %get3A_847 = tpu.vector_load %arg4[%get3A_846] {strides = array<i32>} : memref<512xf32, #tpu.memory_space<vmem>>, vector<16xf32>,
    %get3A_848 = vector.shape_cast %get3A_847 : vector<16xf32> to vector<16xf32>
    %get3A_849 = arith.constant 176 : index
    %get3A_850 = tpu.vector_load %arg4[%get3A_849] {strides = array<i32>} : memref<512xf32, #tpu.memory_space<vmem>>, vector<16xf32>,
    %get3A_851 = vector.shape_cast %get3A_850 : vector<16xf32> to vector<16xf32>
    %get3A_852 = arith.constant 240 : index
    %get3A_853 = tpu.vector_load %arg4[%get3A_852] {strides = array<i32>} : memref<512xf32, #tpu.memory_space<vmem>>, vector<16xf32>,
    %get3A_854 = vector.shape_cast %get3A_853 : vector<16xf32> to vector<16xf32>
    %get3A_855 = arith.constant 304 : index
    %get3A_856 = tpu.vector_load %arg4[%get3A_855] {strides = array<i32>} : memref<512xf32, #tpu.memory_space<vmem>>, vector<16xf32>,
    %get3A_857 = vector.shape_cast %get3A_856 : vector<16xf32> to vector<16xf32>
    %get3A_858 = arith.constant 368 : index
    %get3A_859 = tpu.vector_load %arg4[%get3A_858] {strides = array<i32>} : memref<512xf32, #tpu.memory_space<vmem>>, vector<16xf32>,
    %get3A_860 = vector.shape_cast %get3A_859 : vector<16xf32> to vector<16xf32>
    %get3A_861 = arith.constant 432 : index
    %get3A_862 = tpu.vector_load %arg4[%get3A_861] {strides = array<i32>} : memref<512xf32, #tpu.memory_space<vmem>>, vector<16xf32>,
    %get3A_863 = vector.shape_cast %get3A_862 : vector<16xf32> to vector<16xf32>
    %get3A_864 = arith.constant 496 : index
    %get3A_865 = tpu.vector_load %arg4[%get3A_864] {strides = array<i32>} : memref<512xf32, #tpu.memory_space<vmem>>, vector<16xf32>,
    %get3A_866 = vector.shape_cast %get3A_865 : vector<16xf32> to vector<16xf32>
    %max3A_867 = arith.maximumf %get3A_845, %get3A_848 : vector<16xf32>
    %max3A_868 = arith.maximumf %max3A_867, %get3A_851 : vector<16xf32>
    %max3A_869 = arith.maximumf %max3A_868, %get3A_854 : vector<16xf32>
    %max3A_870 = arith.maximumf %max3A_869, %get3A_857 : vector<16xf32>
    %max3A_871 = arith.maximumf %max3A_870, %get3A_860 : vector<16xf32>
    %max3A_872 = arith.maximumf %max3A_871, %get3A_863 : vector<16xf32>
    %max3A_873 = arith.maximumf %max3A_872, %get3A_866 : vector<16xf32>
    %sub3A_874 = arith.subf %get3A_845, %max3A_873 : vector<16xf32>
    %exp3A_875 = math.exp %sub3A_874 : vector<16xf32>
    %sub3A_876 = arith.subf %get3A_848, %max3A_873 : vector<16xf32>
    %exp3A_877 = math.exp %sub3A_876 : vector<16xf32>
    %sub3A_878 = arith.subf %get3A_851, %max3A_873 : vector<16xf32>
    %exp3A_879 = math.exp %sub3A_878 : vector<16xf32>
    %sub3A_880 = arith.subf %get3A_854, %max3A_873 : vector<16xf32>
    %exp3A_881 = math.exp %sub3A_880 : vector<16xf32>
    %sub3A_882 = arith.subf %get3A_857, %max3A_873 : vector<16xf32>
    %exp3A_883 = math.exp %sub3A_882 : vector<16xf32>
    %sub3A_884 = arith.subf %get3A_860, %max3A_873 : vector<16xf32>
    %exp3A_885 = math.exp %sub3A_884 : vector<16xf32>
    %sub3A_886 = arith.subf %get3A_863, %max3A_873 : vector<16xf32>
    %exp3A_887 = math.exp %sub3A_886 : vector<16xf32>
    %sub3A_888 = arith.subf %get3A_866, %max3A_873 : vector<16xf32>
    %exp3A_889 = math.exp %sub3A_888 : vector<16xf32>
    %max3A_890 = arith.maximumf %exp3A_875, %exp3A_877 : vector<16xf32>
    %max3A_891 = arith.maximumf %max3A_890, %exp3A_879 : vector<16xf32>
    %max3A_892 = arith.maximumf %max3A_891, %exp3A_881 : vector<16xf32>
    %max3A_893 = arith.maximumf %max3A_892, %exp3A_883 : vector<16xf32>
    %max3A_894 = arith.maximumf %max3A_893, %exp3A_885 : vector<16xf32>
    %max3A_895 = arith.maximumf %max3A_894, %exp3A_887 : vector<16xf32>
    %max3A_896 = arith.maximumf %max3A_895, %exp3A_889 : vector<16xf32>
    %broadcast_in_dim3A_897 = arith.constant 8 : i32
    %broadcast_in_dim3A_898 = vector.broadcast %broadcast_in_dim3A_897 : i32 to vector<16xi32>
    %eq3A_899 = arith.cmpf oeq, %exp3A_875, %max3A_896 : vector<16xf32>
    %broadcast_in_dim3A_900 = arith.constant 0 : i32
    %broadcast_in_dim3A_901 = vector.broadcast %broadcast_in_dim3A_900 : i32 to vector<16xi32>
    %select_n3A_902 = arith.select %eq3A_899, %broadcast_in_dim3A_901, %broadcast_in_dim3A_898 : vector<16xi1>, vector<16xi32>
    %min3A_903 = arith.minsi %broadcast_in_dim3A_898, %select_n3A_902 : vector<16xi32>
    %eq3A_904 = arith.cmpf oeq, %exp3A_877, %max3A_896 : vector<16xf32>
    %broadcast_in_dim3A_905 = arith.constant 1 : i32
    %broadcast_in_dim3A_906 = vector.broadcast %broadcast_in_dim3A_905 : i32 to vector<16xi32>
    %select_n3A_907 = arith.select %eq3A_904, %broadcast_in_dim3A_906, %broadcast_in_dim3A_898 : vector<16xi1>, vector<16xi32>
    %min3A_908 = arith.minsi %min3A_903, %select_n3A_907 : vector<16xi32>
    %eq3A_909 = arith.cmpf oeq, %exp3A_879, %max3A_896 : vector<16xf32>
    %broadcast_in_dim3A_910 = arith.constant 2 : i32
    %broadcast_in_dim3A_911 = vector.broadcast %broadcast_in_dim3A_910 : i32 to vector<16xi32>
    %select_n3A_912 = arith.select %eq3A_909, %broadcast_in_dim3A_911, %broadcast_in_dim3A_898 : vector<16xi1>, vector<16xi32>
    %min3A_913 = arith.minsi %min3A_908, %select_n3A_912 : vector<16xi32>
    %eq3A_914 = arith.cmpf oeq, %exp3A_881, %max3A_896 : vector<16xf32>
    %broadcast_in_dim3A_915 = arith.constant 3 : i32
    %broadcast_in_dim3A_916 = vector.broadcast %broadcast_in_dim3A_915 : i32 to vector<16xi32>
    %select_n3A_917 = arith.select %eq3A_914, %broadcast_in_dim3A_916, %broadcast_in_dim3A_898 : vector<16xi1>, vector<16xi32>
    %min3A_918 = arith.minsi %min3A_913, %select_n3A_917 : vector<16xi32>
    %eq3A_919 = arith.cmpf oeq, %exp3A_883, %max3A_896 : vector<16xf32>
    %broadcast_in_dim3A_920 = arith.constant 4 : i32
    %broadcast_in_dim3A_921 = vector.broadcast %broadcast_in_dim3A_920 : i32 to vector<16xi32>
    %select_n3A_922 = arith.select %eq3A_919, %broadcast_in_dim3A_921, %broadcast_in_dim3A_898 : vector<16xi1>, vector<16xi32>
    %min3A_923 = arith.minsi %min3A_918, %select_n3A_922 : vector<16xi32>
    %eq3A_924 = arith.cmpf oeq, %exp3A_885, %max3A_896 : vector<16xf32>
    %broadcast_in_dim3A_925 = arith.constant 5 : i32
    %broadcast_in_dim3A_926 = vector.broadcast %broadcast_in_dim3A_925 : i32 to vector<16xi32>
    %select_n3A_927 = arith.select %eq3A_924, %broadcast_in_dim3A_926, %broadcast_in_dim3A_898 : vector<16xi1>, vector<16xi32>
    %min3A_928 = arith.minsi %min3A_923, %select_n3A_927 : vector<16xi32>
    %eq3A_929 = arith.cmpf oeq, %exp3A_887, %max3A_896 : vector<16xf32>
    %broadcast_in_dim3A_930 = arith.constant 6 : i32
    %broadcast_in_dim3A_931 = vector.broadcast %broadcast_in_dim3A_930 : i32 to vector<16xi32>
    %select_n3A_932 = arith.select %eq3A_929, %broadcast_in_dim3A_931, %broadcast_in_dim3A_898 : vector<16xi1>, vector<16xi32>
    %min3A_933 = arith.minsi %min3A_928, %select_n3A_932 : vector<16xi32>
    %eq3A_934 = arith.cmpf oeq, %exp3A_889, %max3A_896 : vector<16xf32>
    %broadcast_in_dim3A_935 = arith.constant 7 : i32
    %broadcast_in_dim3A_936 = vector.broadcast %broadcast_in_dim3A_935 : i32 to vector<16xi32>
    %select_n3A_937 = arith.select %eq3A_934, %broadcast_in_dim3A_936, %broadcast_in_dim3A_898 : vector<16xi1>, vector<16xi32>
    %min3A_938 = arith.minsi %min3A_933, %select_n3A_937 : vector<16xi32>
    %broadcast_in_dim3A_939 = arith.constant 0xFF800000 : f32
    %broadcast_in_dim3A_940 = vector.broadcast %broadcast_in_dim3A_939 : f32 to vector<16xf32>
    %eq3A_941 = arith.constant 0 : i32
    %eq3A_942 = vector.broadcast %eq3A_941 : i32 to vector<16xi32>
    %eq3A_943 = arith.cmpi eq, %min3A_938, %eq3A_942 : vector<16xi32>
    %select_n3A_944 = arith.select %eq3A_943, %broadcast_in_dim3A_940, %exp3A_875 : vector<16xi1>, vector<16xf32>
    %eq3A_945 = arith.constant 1 : i32
    %eq3A_946 = vector.broadcast %eq3A_945 : i32 to vector<16xi32>
    %eq3A_947 = arith.cmpi eq, %min3A_938, %eq3A_946 : vector<16xi32>
    %select_n3A_948 = arith.select %eq3A_947, %broadcast_in_dim3A_940, %exp3A_877 : vector<16xi1>, vector<16xf32>
    %eq3A_949 = arith.constant 2 : i32
    %eq3A_950 = vector.broadcast %eq3A_949 : i32 to vector<16xi32>
    %eq3A_951 = arith.cmpi eq, %min3A_938, %eq3A_950 : vector<16xi32>
    %select_n3A_952 = arith.select %eq3A_951, %broadcast_in_dim3A_940, %exp3A_879 : vector<16xi1>, vector<16xf32>
    %eq3A_953 = arith.constant 3 : i32
    %eq3A_954 = vector.broadcast %eq3A_953 : i32 to vector<16xi32>
    %eq3A_955 = arith.cmpi eq, %min3A_938, %eq3A_954 : vector<16xi32>
    %select_n3A_956 = arith.select %eq3A_955, %broadcast_in_dim3A_940, %exp3A_881 : vector<16xi1>, vector<16xf32>
    %eq3A_957 = arith.constant 4 : i32
    %eq3A_958 = vector.broadcast %eq3A_957 : i32 to vector<16xi32>
    %eq3A_959 = arith.cmpi eq, %min3A_938, %eq3A_958 : vector<16xi32>
    %select_n3A_960 = arith.select %eq3A_959, %broadcast_in_dim3A_940, %exp3A_883 : vector<16xi1>, vector<16xf32>
    %eq3A_961 = arith.constant 5 : i32
    %eq3A_962 = vector.broadcast %eq3A_961 : i32 to vector<16xi32>
    %eq3A_963 = arith.cmpi eq, %min3A_938, %eq3A_962 : vector<16xi32>
    %select_n3A_964 = arith.select %eq3A_963, %broadcast_in_dim3A_940, %exp3A_885 : vector<16xi1>, vector<16xf32>
    %eq3A_965 = arith.constant 6 : i32
    %eq3A_966 = vector.broadcast %eq3A_965 : i32 to vector<16xi32>
    %eq3A_967 = arith.cmpi eq, %min3A_938, %eq3A_966 : vector<16xi32>
    %select_n3A_968 = arith.select %eq3A_967, %broadcast_in_dim3A_940, %exp3A_887 : vector<16xi1>, vector<16xf32>
    %eq3A_969 = arith.constant 7 : i32
    %eq3A_970 = vector.broadcast %eq3A_969 : i32 to vector<16xi32>
    %eq3A_971 = arith.cmpi eq, %min3A_938, %eq3A_970 : vector<16xi32>
    %select_n3A_972 = arith.select %eq3A_971, %broadcast_in_dim3A_940, %exp3A_889 : vector<16xi1>, vector<16xf32>
    %max3A_973 = arith.maximumf %select_n3A_944, %select_n3A_948 : vector<16xf32>
    %max3A_974 = arith.maximumf %max3A_973, %select_n3A_952 : vector<16xf32>
    %max3A_975 = arith.maximumf %max3A_974, %select_n3A_956 : vector<16xf32>
    %max3A_976 = arith.maximumf %max3A_975, %select_n3A_960 : vector<16xf32>
    %max3A_977 = arith.maximumf %max3A_976, %select_n3A_964 : vector<16xf32>
    %max3A_978 = arith.maximumf %max3A_977, %select_n3A_968 : vector<16xf32>
    %max3A_979 = arith.maximumf %max3A_978, %select_n3A_972 : vector<16xf32>
    %eq3A_980 = arith.cmpf oeq, %select_n3A_944, %max3A_979 : vector<16xf32>
    %broadcast_in_dim3A_981 = arith.constant 0 : i32
    %broadcast_in_dim3A_982 = vector.broadcast %broadcast_in_dim3A_981 : i32 to vector<16xi32>
    %select_n3A_983 = arith.select %eq3A_980, %broadcast_in_dim3A_982, %broadcast_in_dim3A_898 : vector<16xi1>, vector<16xi32>
    %min3A_984 = arith.minsi %broadcast_in_dim3A_898, %select_n3A_983 : vector<16xi32>
    %eq3A_985 = arith.cmpf oeq, %select_n3A_948, %max3A_979 : vector<16xf32>
    %broadcast_in_dim3A_986 = arith.constant 1 : i32
    %broadcast_in_dim3A_987 = vector.broadcast %broadcast_in_dim3A_986 : i32 to vector<16xi32>
    %select_n3A_988 = arith.select %eq3A_985, %broadcast_in_dim3A_987, %broadcast_in_dim3A_898 : vector<16xi1>, vector<16xi32>
    %min3A_989 = arith.minsi %min3A_984, %select_n3A_988 : vector<16xi32>
    %eq3A_990 = arith.cmpf oeq, %select_n3A_952, %max3A_979 : vector<16xf32>
    %broadcast_in_dim3A_991 = arith.constant 2 : i32
    %broadcast_in_dim3A_992 = vector.broadcast %broadcast_in_dim3A_991 : i32 to vector<16xi32>
    %select_n3A_993 = arith.select %eq3A_990, %broadcast_in_dim3A_992, %broadcast_in_dim3A_898 : vector<16xi1>, vector<16xi32>
    %min3A_994 = arith.minsi %min3A_989, %select_n3A_993 : vector<16xi32>
    %eq3A_995 = arith.cmpf oeq, %select_n3A_956, %max3A_979 : vector<16xf32>
    %broadcast_in_dim3A_996 = arith.constant 3 : i32
    %broadcast_in_dim3A_997 = vector.broadcast %broadcast_in_dim3A_996 : i32 to vector<16xi32>
    %select_n3A_998 = arith.select %eq3A_995, %broadcast_in_dim3A_997, %broadcast_in_dim3A_898 : vector<16xi1>, vector<16xi32>
    %min3A_999 = arith.minsi %min3A_994, %select_n3A_998 : vector<16xi32>
    %eq3A_1000 = arith.cmpf oeq, %select_n3A_960, %max3A_979 : vector<16xf32>
    %broadcast_in_dim3A_1001 = arith.constant 4 : i32
    %broadcast_in_dim3A_1002 = vector.broadcast %broadcast_in_dim3A_1001 : i32 to vector<16xi32>
    %select_n3A_1003 = arith.select %eq3A_1000, %broadcast_in_dim3A_1002, %broadcast_in_dim3A_898 : vector<16xi1>, vector<16xi32>
    %min3A_1004 = arith.minsi %min3A_999, %select_n3A_1003 : vector<16xi32>
    %eq3A_1005 = arith.cmpf oeq, %select_n3A_964, %max3A_979 : vector<16xf32>
    %broadcast_in_dim3A_1006 = arith.constant 5 : i32
    %broadcast_in_dim3A_1007 = vector.broadcast %broadcast_in_dim3A_1006 : i32 to vector<16xi32>
    %select_n3A_1008 = arith.select %eq3A_1005, %broadcast_in_dim3A_1007, %broadcast_in_dim3A_898 : vector<16xi1>, vector<16xi32>
    %min3A_1009 = arith.minsi %min3A_1004, %select_n3A_1008 : vector<16xi32>
    %eq3A_1010 = arith.cmpf oeq, %select_n3A_968, %max3A_979 : vector<16xf32>
    %broadcast_in_dim3A_1011 = arith.constant 6 : i32
    %broadcast_in_dim3A_1012 = vector.broadcast %broadcast_in_dim3A_1011 : i32 to vector<16xi32>
    %select_n3A_1013 = arith.select %eq3A_1010, %broadcast_in_dim3A_1012, %broadcast_in_dim3A_898 : vector<16xi1>, vector<16xi32>
    %min3A_1014 = arith.minsi %min3A_1009, %select_n3A_1013 : vector<16xi32>
    %eq3A_1015 = arith.cmpf oeq, %select_n3A_972, %max3A_979 : vector<16xf32>
    %broadcast_in_dim3A_1016 = arith.constant 7 : i32
    %broadcast_in_dim3A_1017 = vector.broadcast %broadcast_in_dim3A_1016 : i32 to vector<16xi32>
    %select_n3A_1018 = arith.select %eq3A_1015, %broadcast_in_dim3A_1017, %broadcast_in_dim3A_898 : vector<16xi1>, vector<16xi32>
    %min3A_1019 = arith.minsi %min3A_1014, %select_n3A_1018 : vector<16xi32>
    %add3A_1020 = arith.addf %max3A_896, %max3A_979 : vector<16xf32>
    %div3A_1021 = arith.divf %max3A_896, %add3A_1020 : vector<16xf32>
    %div3A_1022 = arith.divf %max3A_979, %add3A_1020 : vector<16xf32>
    %broadcast_in_dim3A_1023 = arith.constant 0.000000e+00 : f32
    %broadcast_in_dim3A_1024 = vector.broadcast %broadcast_in_dim3A_1023 : f32 to vector<16xf32>
    %eq3A_1025 = arith.constant 0 : i32
    %eq3A_1026 = vector.broadcast %eq3A_1025 : i32 to vector<16xi32>
    %eq3A_1027 = arith.cmpi eq, %min3A_938, %eq3A_1026 : vector<16xi32>
    %eq3A_1028 = arith.constant 0 : i32
    %eq3A_1029 = vector.broadcast %eq3A_1028 : i32 to vector<16xi32>
    %eq3A_1030 = arith.cmpi eq, %min3A_1019, %eq3A_1029 : vector<16xi32>
    %select_n3A_1031 = arith.select %eq3A_1030, %div3A_1022, %broadcast_in_dim3A_1024 : vector<16xi1>, vector<16xf32>
    %select_n3A_1032 = arith.select %eq3A_1027, %div3A_1021, %select_n3A_1031 : vector<16xi1>, vector<16xf32>
    %swap3A_1033 = arith.constant 48 : index
    %swap3A_1034 = tpu.vector_load %arg5[%swap3A_1033] {strides = array<i32>} : memref<512xf32, #tpu.memory_space<vmem>>, vector<16xf32>,
    %swap3A_1035 = vector.shape_cast %swap3A_1034 : vector<16xf32> to vector<16xf32>
    %swap3A_1036 = vector.shape_cast %select_n3A_1032 : vector<16xf32> to vector<16xf32>
    tpu.vector_store %arg5[%swap3A_1033], %swap3A_1036 {strides = array<i32>} : memref<512xf32, #tpu.memory_space<vmem>>, vector<16xf32>,
    %eq3A_1037 = arith.constant 1 : i32
    %eq3A_1038 = vector.broadcast %eq3A_1037 : i32 to vector<16xi32>
    %eq3A_1039 = arith.cmpi eq, %min3A_938, %eq3A_1038 : vector<16xi32>
    %eq3A_1040 = arith.constant 1 : i32
    %eq3A_1041 = vector.broadcast %eq3A_1040 : i32 to vector<16xi32>
    %eq3A_1042 = arith.cmpi eq, %min3A_1019, %eq3A_1041 : vector<16xi32>
    %select_n3A_1043 = arith.select %eq3A_1042, %div3A_1022, %broadcast_in_dim3A_1024 : vector<16xi1>, vector<16xf32>
    %select_n3A_1044 = arith.select %eq3A_1039, %div3A_1021, %select_n3A_1043 : vector<16xi1>, vector<16xf32>
    %swap3A_1045 = arith.constant 112 : index
    %swap3A_1046 = tpu.vector_load %arg5[%swap3A_1045] {strides = array<i32>} : memref<512xf32, #tpu.memory_space<vmem>>, vector<16xf32>,
    %swap3A_1047 = vector.shape_cast %swap3A_1046 : vector<16xf32> to vector<16xf32>
    %swap3A_1048 = vector.shape_cast %select_n3A_1044 : vector<16xf32> to vector<16xf32>
    tpu.vector_store %arg5[%swap3A_1045], %swap3A_1048 {strides = array<i32>} : memref<512xf32, #tpu.memory_space<vmem>>, vector<16xf32>,
    %eq3A_1049 = arith.constant 2 : i32
    %eq3A_1050 = vector.broadcast %eq3A_1049 : i32 to vector<16xi32>
    %eq3A_1051 = arith.cmpi eq, %min3A_938, %eq3A_1050 : vector<16xi32>
    %eq3A_1052 = arith.constant 2 : i32
    %eq3A_1053 = vector.broadcast %eq3A_1052 : i32 to vector<16xi32>
    %eq3A_1054 = arith.cmpi eq, %min3A_1019, %eq3A_1053 : vector<16xi32>
    %select_n3A_1055 = arith.select %eq3A_1054, %div3A_1022, %broadcast_in_dim3A_1024 : vector<16xi1>, vector<16xf32>
    %select_n3A_1056 = arith.select %eq3A_1051, %div3A_1021, %select_n3A_1055 : vector<16xi1>, vector<16xf32>
    %swap3A_1057 = arith.constant 176 : index
    %swap3A_1058 = tpu.vector_load %arg5[%swap3A_1057] {strides = array<i32>} : memref<512xf32, #tpu.memory_space<vmem>>, vector<16xf32>,
    %swap3A_1059 = vector.shape_cast %swap3A_1058 : vector<16xf32> to vector<16xf32>
    %swap3A_1060 = vector.shape_cast %select_n3A_1056 : vector<16xf32> to vector<16xf32>
    tpu.vector_store %arg5[%swap3A_1057], %swap3A_1060 {strides = array<i32>} : memref<512xf32, #tpu.memory_space<vmem>>, vector<16xf32>,
    %eq3A_1061 = arith.constant 3 : i32
    %eq3A_1062 = vector.broadcast %eq3A_1061 : i32 to vector<16xi32>
    %eq3A_1063 = arith.cmpi eq, %min3A_938, %eq3A_1062 : vector<16xi32>
    %eq3A_1064 = arith.constant 3 : i32
    %eq3A_1065 = vector.broadcast %eq3A_1064 : i32 to vector<16xi32>
    %eq3A_1066 = arith.cmpi eq, %min3A_1019, %eq3A_1065 : vector<16xi32>
    %select_n3A_1067 = arith.select %eq3A_1066, %div3A_1022, %broadcast_in_dim3A_1024 : vector<16xi1>, vector<16xf32>
    %select_n3A_1068 = arith.select %eq3A_1063, %div3A_1021, %select_n3A_1067 : vector<16xi1>, vector<16xf32>
    %swap3A_1069 = arith.constant 240 : index
    %swap3A_1070 = tpu.vector_load %arg5[%swap3A_1069] {strides = array<i32>} : memref<512xf32, #tpu.memory_space<vmem>>, vector<16xf32>,
    %swap3A_1071 = vector.shape_cast %swap3A_1070 : vector<16xf32> to vector<16xf32>
    %swap3A_1072 = vector.shape_cast %select_n3A_1068 : vector<16xf32> to vector<16xf32>
    tpu.vector_store %arg5[%swap3A_1069], %swap3A_1072 {strides = array<i32>} : memref<512xf32, #tpu.memory_space<vmem>>, vector<16xf32>,
    %eq3A_1073 = arith.constant 4 : i32
    %eq3A_1074 = vector.broadcast %eq3A_1073 : i32 to vector<16xi32>
    %eq3A_1075 = arith.cmpi eq, %min3A_938, %eq3A_1074 : vector<16xi32>
    %eq3A_1076 = arith.constant 4 : i32
    %eq3A_1077 = vector.broadcast %eq3A_1076 : i32 to vector<16xi32>
    %eq3A_1078 = arith.cmpi eq, %min3A_1019, %eq3A_1077 : vector<16xi32>
    %select_n3A_1079 = arith.select %eq3A_1078, %div3A_1022, %broadcast_in_dim3A_1024 : vector<16xi1>, vector<16xf32>
    %select_n3A_1080 = arith.select %eq3A_1075, %div3A_1021, %select_n3A_1079 : vector<16xi1>, vector<16xf32>
    %swap3A_1081 = arith.constant 304 : index
    %swap3A_1082 = tpu.vector_load %arg5[%swap3A_1081] {strides = array<i32>} : memref<512xf32, #tpu.memory_space<vmem>>, vector<16xf32>,
    %swap3A_1083 = vector.shape_cast %swap3A_1082 : vector<16xf32> to vector<16xf32>
    %swap3A_1084 = vector.shape_cast %select_n3A_1080 : vector<16xf32> to vector<16xf32>
    tpu.vector_store %arg5[%swap3A_1081], %swap3A_1084 {strides = array<i32>} : memref<512xf32, #tpu.memory_space<vmem>>, vector<16xf32>,
    %eq3A_1085 = arith.constant 5 : i32
    %eq3A_1086 = vector.broadcast %eq3A_1085 : i32 to vector<16xi32>
    %eq3A_1087 = arith.cmpi eq, %min3A_938, %eq3A_1086 : vector<16xi32>
    %eq3A_1088 = arith.constant 5 : i32
    %eq3A_1089 = vector.broadcast %eq3A_1088 : i32 to vector<16xi32>
    %eq3A_1090 = arith.cmpi eq, %min3A_1019, %eq3A_1089 : vector<16xi32>
    %select_n3A_1091 = arith.select %eq3A_1090, %div3A_1022, %broadcast_in_dim3A_1024 : vector<16xi1>, vector<16xf32>
    %select_n3A_1092 = arith.select %eq3A_1087, %div3A_1021, %select_n3A_1091 : vector<16xi1>, vector<16xf32>
    %swap3A_1093 = arith.constant 368 : index
    %swap3A_1094 = tpu.vector_load %arg5[%swap3A_1093] {strides = array<i32>} : memref<512xf32, #tpu.memory_space<vmem>>, vector<16xf32>,
    %swap3A_1095 = vector.shape_cast %swap3A_1094 : vector<16xf32> to vector<16xf32>
    %swap3A_1096 = vector.shape_cast %select_n3A_1092 : vector<16xf32> to vector<16xf32>
    tpu.vector_store %arg5[%swap3A_1093], %swap3A_1096 {strides = array<i32>} : memref<512xf32, #tpu.memory_space<vmem>>, vector<16xf32>,
    %eq3A_1097 = arith.constant 6 : i32
    %eq3A_1098 = vector.broadcast %eq3A_1097 : i32 to vector<16xi32>
    %eq3A_1099 = arith.cmpi eq, %min3A_938, %eq3A_1098 : vector<16xi32>
    %eq3A_1100 = arith.constant 6 : i32
    %eq3A_1101 = vector.broadcast %eq3A_1100 : i32 to vector<16xi32>
    %eq3A_1102 = arith.cmpi eq, %min3A_1019, %eq3A_1101 : vector<16xi32>
    %select_n3A_1103 = arith.select %eq3A_1102, %div3A_1022, %broadcast_in_dim3A_1024 : vector<16xi1>, vector<16xf32>
    %select_n3A_1104 = arith.select %eq3A_1099, %div3A_1021, %select_n3A_1103 : vector<16xi1>, vector<16xf32>
    %swap3A_1105 = arith.constant 432 : index
    %swap3A_1106 = tpu.vector_load %arg5[%swap3A_1105] {strides = array<i32>} : memref<512xf32, #tpu.memory_space<vmem>>, vector<16xf32>,
    %swap3A_1107 = vector.shape_cast %swap3A_1106 : vector<16xf32> to vector<16xf32>
    %swap3A_1108 = vector.shape_cast %select_n3A_1104 : vector<16xf32> to vector<16xf32>
    tpu.vector_store %arg5[%swap3A_1105], %swap3A_1108 {strides = array<i32>} : memref<512xf32, #tpu.memory_space<vmem>>, vector<16xf32>,
    %eq3A_1109 = arith.constant 7 : i32
    %eq3A_1110 = vector.broadcast %eq3A_1109 : i32 to vector<16xi32>
    %eq3A_1111 = arith.cmpi eq, %min3A_938, %eq3A_1110 : vector<16xi32>
    %eq3A_1112 = arith.constant 7 : i32
    %eq3A_1113 = vector.broadcast %eq3A_1112 : i32 to vector<16xi32>
    %eq3A_1114 = arith.cmpi eq, %min3A_1019, %eq3A_1113 : vector<16xi32>
    %select_n3A_1115 = arith.select %eq3A_1114, %div3A_1022, %broadcast_in_dim3A_1024 : vector<16xi1>, vector<16xf32>
    %select_n3A_1116 = arith.select %eq3A_1111, %div3A_1021, %select_n3A_1115 : vector<16xi1>, vector<16xf32>
    %swap3A_1117 = arith.constant 496 : index
    %swap3A_1118 = tpu.vector_load %arg5[%swap3A_1117] {strides = array<i32>} : memref<512xf32, #tpu.memory_space<vmem>>, vector<16xf32>,
    %swap3A_1119 = vector.shape_cast %swap3A_1118 : vector<16xf32> to vector<16xf32>
    %swap3A_1120 = vector.shape_cast %select_n3A_1116 : vector<16xf32> to vector<16xf32>
    tpu.vector_store %arg5[%swap3A_1117], %swap3A_1120 {strides = array<i32>} : memref<512xf32, #tpu.memory_space<vmem>>, vector<16xf32>,
    %add3A_1121 = arith.constant 0 : i32
    %add3A_1122 = arith.addi %add3A_1121, %mul3A_2 : i32
    "tpu.region"() ({
      %run_scoped3A = tpu.sem_alloc : memref<!tpu.dma_semaphore, #tpu.memory_space<semaphore_mem>>
      %dma_start3A = arith.constant 0 : i32
      %dma_start3A_1137 = tpu.memref_slice %arg5[%dma_start3A] : memref<512xf32, #tpu.memory_space<vmem>> -> memref<64xf32, #tpu.memory_space<vmem>>
      %dma_start3A_1138 = tpu.memref_slice %arg3[%add3A_1122] : memref<16384xf32, #tpu.memory_space<hbm>> -> memref<64xf32, #tpu.memory_space<hbm>>
      %dma_start3A_1139 = tpu.memref_slice %arg3[%add3A_1122] : memref<16384xf32, #tpu.memory_space<hbm>> -> memref<64xf32, #tpu.memory_space<hbm>>
      %dma_start3A_1140 = arith.constant 0 : i32
      %dma_start3A_1141 = tpu.memref_slice %arg5[%dma_start3A_1140] : memref<512xf32, #tpu.memory_space<vmem>> -> memref<64xf32, #tpu.memory_space<vmem>>
      tpu.enqueue_dma source(%dma_start3A_1141 : memref<64xf32, #tpu.memory_space<vmem>>) target(%dma_start3A_1139 : memref<64xf32, #tpu.memory_space<hbm>>) target_semaphore(%run_scoped3A : memref<!tpu.dma_semaphore, #tpu.memory_space<semaphore_mem>>)
      %dma_wait3A = arith.constant 0 : i32
      %dma_wait3A_1142 = tpu.memref_slice %arg5[%dma_wait3A] : memref<512xf32, #tpu.memory_space<vmem>> -> memref<64xf32, #tpu.memory_space<vmem>>
      %dma_wait3A_1143 = tpu.memref_slice %arg3[%add3A_1122] : memref<16384xf32, #tpu.memory_space<hbm>> -> memref<64xf32, #tpu.memory_space<hbm>>
      %dma_wait3A_1144 = tpu.memref_slice %arg3[%add3A_1122] : memref<16384xf32, #tpu.memory_space<hbm>> -> memref<64xf32, #tpu.memory_space<hbm>>
      %dma_wait3A_1145 = arith.constant 0 : i32
      %dma_wait3A_1146 = tpu.memref_slice %arg5[%dma_wait3A_1145] : memref<512xf32, #tpu.memory_space<vmem>> -> memref<64xf32, #tpu.memory_space<vmem>>
      tpu.wait_dma2 semaphore(%run_scoped3A : memref<!tpu.dma_semaphore, #tpu.memory_space<semaphore_mem>>) src(%dma_wait3A_1146 : memref<64xf32, #tpu.memory_space<vmem>>) dst(%dma_wait3A_1144 : memref<64xf32, #tpu.memory_space<hbm>>)
      tpu.yield
    }) : () -> ()
    %add3A_1123 = arith.constant 2048 : i32
    %add3A_1124 = arith.addi %add3A_1123, %mul3A_2 : i32
    "tpu.region"() ({
      %run_scoped3A = tpu.sem_alloc : memref<!tpu.dma_semaphore, #tpu.memory_space<semaphore_mem>>
      %dma_start3A = arith.constant 64 : i32
      %dma_start3A_1137 = tpu.memref_slice %arg5[%dma_start3A] : memref<512xf32, #tpu.memory_space<vmem>> -> memref<64xf32, #tpu.memory_space<vmem>>
      %dma_start3A_1138 = tpu.memref_slice %arg3[%add3A_1124] : memref<16384xf32, #tpu.memory_space<hbm>> -> memref<64xf32, #tpu.memory_space<hbm>>
      %dma_start3A_1139 = tpu.memref_slice %arg3[%add3A_1124] : memref<16384xf32, #tpu.memory_space<hbm>> -> memref<64xf32, #tpu.memory_space<hbm>>
      %dma_start3A_1140 = arith.constant 64 : i32
      %dma_start3A_1141 = tpu.memref_slice %arg5[%dma_start3A_1140] : memref<512xf32, #tpu.memory_space<vmem>> -> memref<64xf32, #tpu.memory_space<vmem>>
      tpu.enqueue_dma source(%dma_start3A_1141 : memref<64xf32, #tpu.memory_space<vmem>>) target(%dma_start3A_1139 : memref<64xf32, #tpu.memory_space<hbm>>) target_semaphore(%run_scoped3A : memref<!tpu.dma_semaphore, #tpu.memory_space<semaphore_mem>>)
      %dma_wait3A = arith.constant 64 : i32
      %dma_wait3A_1142 = tpu.memref_slice %arg5[%dma_wait3A] : memref<512xf32, #tpu.memory_space<vmem>> -> memref<64xf32, #tpu.memory_space<vmem>>
      %dma_wait3A_1143 = tpu.memref_slice %arg3[%add3A_1124] : memref<16384xf32, #tpu.memory_space<hbm>> -> memref<64xf32, #tpu.memory_space<hbm>>
      %dma_wait3A_1144 = tpu.memref_slice %arg3[%add3A_1124] : memref<16384xf32, #tpu.memory_space<hbm>> -> memref<64xf32, #tpu.memory_space<hbm>>
      %dma_wait3A_1145 = arith.constant 64 : i32
      %dma_wait3A_1146 = tpu.memref_slice %arg5[%dma_wait3A_1145] : memref<512xf32, #tpu.memory_space<vmem>> -> memref<64xf32, #tpu.memory_space<vmem>>
      tpu.wait_dma2 semaphore(%run_scoped3A : memref<!tpu.dma_semaphore, #tpu.memory_space<semaphore_mem>>) src(%dma_wait3A_1146 : memref<64xf32, #tpu.memory_space<vmem>>) dst(%dma_wait3A_1144 : memref<64xf32, #tpu.memory_space<hbm>>)
      tpu.yield
    }) : () -> ()
    %add3A_1125 = arith.constant 4096 : i32
    %add3A_1126 = arith.addi %add3A_1125, %mul3A_2 : i32
    "tpu.region"() ({
      %run_scoped3A = tpu.sem_alloc : memref<!tpu.dma_semaphore, #tpu.memory_space<semaphore_mem>>
      %dma_start3A = arith.constant 128 : i32
      %dma_start3A_1137 = tpu.memref_slice %arg5[%dma_start3A] : memref<512xf32, #tpu.memory_space<vmem>> -> memref<64xf32, #tpu.memory_space<vmem>>
      %dma_start3A_1138 = tpu.memref_slice %arg3[%add3A_1126] : memref<16384xf32, #tpu.memory_space<hbm>> -> memref<64xf32, #tpu.memory_space<hbm>>
      %dma_start3A_1139 = tpu.memref_slice %arg3[%add3A_1126] : memref<16384xf32, #tpu.memory_space<hbm>> -> memref<64xf32, #tpu.memory_space<hbm>>
      %dma_start3A_1140 = arith.constant 128 : i32
      %dma_start3A_1141 = tpu.memref_slice %arg5[%dma_start3A_1140] : memref<512xf32, #tpu.memory_space<vmem>> -> memref<64xf32, #tpu.memory_space<vmem>>
      tpu.enqueue_dma source(%dma_start3A_1141 : memref<64xf32, #tpu.memory_space<vmem>>) target(%dma_start3A_1139 : memref<64xf32, #tpu.memory_space<hbm>>) target_semaphore(%run_scoped3A : memref<!tpu.dma_semaphore, #tpu.memory_space<semaphore_mem>>)
      %dma_wait3A = arith.constant 128 : i32
      %dma_wait3A_1142 = tpu.memref_slice %arg5[%dma_wait3A] : memref<512xf32, #tpu.memory_space<vmem>> -> memref<64xf32, #tpu.memory_space<vmem>>
      %dma_wait3A_1143 = tpu.memref_slice %arg3[%add3A_1126] : memref<16384xf32, #tpu.memory_space<hbm>> -> memref<64xf32, #tpu.memory_space<hbm>>
      %dma_wait3A_1144 = tpu.memref_slice %arg3[%add3A_1126] : memref<16384xf32, #tpu.memory_space<hbm>> -> memref<64xf32, #tpu.memory_space<hbm>>
      %dma_wait3A_1145 = arith.constant 128 : i32
      %dma_wait3A_1146 = tpu.memref_slice %arg5[%dma_wait3A_1145] : memref<512xf32, #tpu.memory_space<vmem>> -> memref<64xf32, #tpu.memory_space<vmem>>
      tpu.wait_dma2 semaphore(%run_scoped3A : memref<!tpu.dma_semaphore, #tpu.memory_space<semaphore_mem>>) src(%dma_wait3A_1146 : memref<64xf32, #tpu.memory_space<vmem>>) dst(%dma_wait3A_1144 : memref<64xf32, #tpu.memory_space<hbm>>)
      tpu.yield
    }) : () -> ()
    %add3A_1127 = arith.constant 6144 : i32
    %add3A_1128 = arith.addi %add3A_1127, %mul3A_2 : i32
    "tpu.region"() ({
      %run_scoped3A = tpu.sem_alloc : memref<!tpu.dma_semaphore, #tpu.memory_space<semaphore_mem>>
      %dma_start3A = arith.constant 192 : i32
      %dma_start3A_1137 = tpu.memref_slice %arg5[%dma_start3A] : memref<512xf32, #tpu.memory_space<vmem>> -> memref<64xf32, #tpu.memory_space<vmem>>
      %dma_start3A_1138 = tpu.memref_slice %arg3[%add3A_1128] : memref<16384xf32, #tpu.memory_space<hbm>> -> memref<64xf32, #tpu.memory_space<hbm>>
      %dma_start3A_1139 = tpu.memref_slice %arg3[%add3A_1128] : memref<16384xf32, #tpu.memory_space<hbm>> -> memref<64xf32, #tpu.memory_space<hbm>>
      %dma_start3A_1140 = arith.constant 192 : i32
      %dma_start3A_1141 = tpu.memref_slice %arg5[%dma_start3A_1140] : memref<512xf32, #tpu.memory_space<vmem>> -> memref<64xf32, #tpu.memory_space<vmem>>
      tpu.enqueue_dma source(%dma_start3A_1141 : memref<64xf32, #tpu.memory_space<vmem>>) target(%dma_start3A_1139 : memref<64xf32, #tpu.memory_space<hbm>>) target_semaphore(%run_scoped3A : memref<!tpu.dma_semaphore, #tpu.memory_space<semaphore_mem>>)
      %dma_wait3A = arith.constant 192 : i32
      %dma_wait3A_1142 = tpu.memref_slice %arg5[%dma_wait3A] : memref<512xf32, #tpu.memory_space<vmem>> -> memref<64xf32, #tpu.memory_space<vmem>>
      %dma_wait3A_1143 = tpu.memref_slice %arg3[%add3A_1128] : memref<16384xf32, #tpu.memory_space<hbm>> -> memref<64xf32, #tpu.memory_space<hbm>>
      %dma_wait3A_1144 = tpu.memref_slice %arg3[%add3A_1128] : memref<16384xf32, #tpu.memory_space<hbm>> -> memref<64xf32, #tpu.memory_space<hbm>>
      %dma_wait3A_1145 = arith.constant 192 : i32
      %dma_wait3A_1146 = tpu.memref_slice %arg5[%dma_wait3A_1145] : memref<512xf32, #tpu.memory_space<vmem>> -> memref<64xf32, #tpu.memory_space<vmem>>
      tpu.wait_dma2 semaphore(%run_scoped3A : memref<!tpu.dma_semaphore, #tpu.memory_space<semaphore_mem>>) src(%dma_wait3A_1146 : memref<64xf32, #tpu.memory_space<vmem>>) dst(%dma_wait3A_1144 : memref<64xf32, #tpu.memory_space<hbm>>)
      tpu.yield
    }) : () -> ()
    %add3A_1129 = arith.constant 8192 : i32
    %add3A_1130 = arith.addi %add3A_1129, %mul3A_2 : i32
    "tpu.region"() ({
      %run_scoped3A = tpu.sem_alloc : memref<!tpu.dma_semaphore, #tpu.memory_space<semaphore_mem>>
      %dma_start3A = arith.constant 256 : i32
      %dma_start3A_1137 = tpu.memref_slice %arg5[%dma_start3A] : memref<512xf32, #tpu.memory_space<vmem>> -> memref<64xf32, #tpu.memory_space<vmem>>
      %dma_start3A_1138 = tpu.memref_slice %arg3[%add3A_1130] : memref<16384xf32, #tpu.memory_space<hbm>> -> memref<64xf32, #tpu.memory_space<hbm>>
      %dma_start3A_1139 = tpu.memref_slice %arg3[%add3A_1130] : memref<16384xf32, #tpu.memory_space<hbm>> -> memref<64xf32, #tpu.memory_space<hbm>>
      %dma_start3A_1140 = arith.constant 256 : i32
      %dma_start3A_1141 = tpu.memref_slice %arg5[%dma_start3A_1140] : memref<512xf32, #tpu.memory_space<vmem>> -> memref<64xf32, #tpu.memory_space<vmem>>
      tpu.enqueue_dma source(%dma_start3A_1141 : memref<64xf32, #tpu.memory_space<vmem>>) target(%dma_start3A_1139 : memref<64xf32, #tpu.memory_space<hbm>>) target_semaphore(%run_scoped3A : memref<!tpu.dma_semaphore, #tpu.memory_space<semaphore_mem>>)
      %dma_wait3A = arith.constant 256 : i32
      %dma_wait3A_1142 = tpu.memref_slice %arg5[%dma_wait3A] : memref<512xf32, #tpu.memory_space<vmem>> -> memref<64xf32, #tpu.memory_space<vmem>>
      %dma_wait3A_1143 = tpu.memref_slice %arg3[%add3A_1130] : memref<16384xf32, #tpu.memory_space<hbm>> -> memref<64xf32, #tpu.memory_space<hbm>>
      %dma_wait3A_1144 = tpu.memref_slice %arg3[%add3A_1130] : memref<16384xf32, #tpu.memory_space<hbm>> -> memref<64xf32, #tpu.memory_space<hbm>>
      %dma_wait3A_1145 = arith.constant 256 : i32
      %dma_wait3A_1146 = tpu.memref_slice %arg5[%dma_wait3A_1145] : memref<512xf32, #tpu.memory_space<vmem>> -> memref<64xf32, #tpu.memory_space<vmem>>
      tpu.wait_dma2 semaphore(%run_scoped3A : memref<!tpu.dma_semaphore, #tpu.memory_space<semaphore_mem>>) src(%dma_wait3A_1146 : memref<64xf32, #tpu.memory_space<vmem>>) dst(%dma_wait3A_1144 : memref<64xf32, #tpu.memory_space<hbm>>)
      tpu.yield
    }) : () -> ()
    %add3A_1131 = arith.constant 10240 : i32
    %add3A_1132 = arith.addi %add3A_1131, %mul3A_2 : i32
    "tpu.region"() ({
      %run_scoped3A = tpu.sem_alloc : memref<!tpu.dma_semaphore, #tpu.memory_space<semaphore_mem>>
      %dma_start3A = arith.constant 320 : i32
      %dma_start3A_1137 = tpu.memref_slice %arg5[%dma_start3A] : memref<512xf32, #tpu.memory_space<vmem>> -> memref<64xf32, #tpu.memory_space<vmem>>
      %dma_start3A_1138 = tpu.memref_slice %arg3[%add3A_1132] : memref<16384xf32, #tpu.memory_space<hbm>> -> memref<64xf32, #tpu.memory_space<hbm>>
      %dma_start3A_1139 = tpu.memref_slice %arg3[%add3A_1132] : memref<16384xf32, #tpu.memory_space<hbm>> -> memref<64xf32, #tpu.memory_space<hbm>>
      %dma_start3A_1140 = arith.constant 320 : i32
      %dma_start3A_1141 = tpu.memref_slice %arg5[%dma_start3A_1140] : memref<512xf32, #tpu.memory_space<vmem>> -> memref<64xf32, #tpu.memory_space<vmem>>
      tpu.enqueue_dma source(%dma_start3A_1141 : memref<64xf32, #tpu.memory_space<vmem>>) target(%dma_start3A_1139 : memref<64xf32, #tpu.memory_space<hbm>>) target_semaphore(%run_scoped3A : memref<!tpu.dma_semaphore, #tpu.memory_space<semaphore_mem>>)
      %dma_wait3A = arith.constant 320 : i32
      %dma_wait3A_1142 = tpu.memref_slice %arg5[%dma_wait3A] : memref<512xf32, #tpu.memory_space<vmem>> -> memref<64xf32, #tpu.memory_space<vmem>>
      %dma_wait3A_1143 = tpu.memref_slice %arg3[%add3A_1132] : memref<16384xf32, #tpu.memory_space<hbm>> -> memref<64xf32, #tpu.memory_space<hbm>>
      %dma_wait3A_1144 = tpu.memref_slice %arg3[%add3A_1132] : memref<16384xf32, #tpu.memory_space<hbm>> -> memref<64xf32, #tpu.memory_space<hbm>>
      %dma_wait3A_1145 = arith.constant 320 : i32
      %dma_wait3A_1146 = tpu.memref_slice %arg5[%dma_wait3A_1145] : memref<512xf32, #tpu.memory_space<vmem>> -> memref<64xf32, #tpu.memory_space<vmem>>
      tpu.wait_dma2 semaphore(%run_scoped3A : memref<!tpu.dma_semaphore, #tpu.memory_space<semaphore_mem>>) src(%dma_wait3A_1146 : memref<64xf32, #tpu.memory_space<vmem>>) dst(%dma_wait3A_1144 : memref<64xf32, #tpu.memory_space<hbm>>)
      tpu.yield
    }) : () -> ()
    %add3A_1133 = arith.constant 12288 : i32
    %add3A_1134 = arith.addi %add3A_1133, %mul3A_2 : i32
    "tpu.region"() ({
      %run_scoped3A = tpu.sem_alloc : memref<!tpu.dma_semaphore, #tpu.memory_space<semaphore_mem>>
      %dma_start3A = arith.constant 384 : i32
      %dma_start3A_1137 = tpu.memref_slice %arg5[%dma_start3A] : memref<512xf32, #tpu.memory_space<vmem>> -> memref<64xf32, #tpu.memory_space<vmem>>
      %dma_start3A_1138 = tpu.memref_slice %arg3[%add3A_1134] : memref<16384xf32, #tpu.memory_space<hbm>> -> memref<64xf32, #tpu.memory_space<hbm>>
      %dma_start3A_1139 = tpu.memref_slice %arg3[%add3A_1134] : memref<16384xf32, #tpu.memory_space<hbm>> -> memref<64xf32, #tpu.memory_space<hbm>>
      %dma_start3A_1140 = arith.constant 384 : i32
      %dma_start3A_1141 = tpu.memref_slice %arg5[%dma_start3A_1140] : memref<512xf32, #tpu.memory_space<vmem>> -> memref<64xf32, #tpu.memory_space<vmem>>
      tpu.enqueue_dma source(%dma_start3A_1141 : memref<64xf32, #tpu.memory_space<vmem>>) target(%dma_start3A_1139 : memref<64xf32, #tpu.memory_space<hbm>>) target_semaphore(%run_scoped3A : memref<!tpu.dma_semaphore, #tpu.memory_space<semaphore_mem>>)
      %dma_wait3A = arith.constant 384 : i32
      %dma_wait3A_1142 = tpu.memref_slice %arg5[%dma_wait3A] : memref<512xf32, #tpu.memory_space<vmem>> -> memref<64xf32, #tpu.memory_space<vmem>>
      %dma_wait3A_1143 = tpu.memref_slice %arg3[%add3A_1134] : memref<16384xf32, #tpu.memory_space<hbm>> -> memref<64xf32, #tpu.memory_space<hbm>>
      %dma_wait3A_1144 = tpu.memref_slice %arg3[%add3A_1134] : memref<16384xf32, #tpu.memory_space<hbm>> -> memref<64xf32, #tpu.memory_space<hbm>>
      %dma_wait3A_1145 = arith.constant 384 : i32
      %dma_wait3A_1146 = tpu.memref_slice %arg5[%dma_wait3A_1145] : memref<512xf32, #tpu.memory_space<vmem>> -> memref<64xf32, #tpu.memory_space<vmem>>
      tpu.wait_dma2 semaphore(%run_scoped3A : memref<!tpu.dma_semaphore, #tpu.memory_space<semaphore_mem>>) src(%dma_wait3A_1146 : memref<64xf32, #tpu.memory_space<vmem>>) dst(%dma_wait3A_1144 : memref<64xf32, #tpu.memory_space<hbm>>)
      tpu.yield
    }) : () -> ()
    %add3A_1135 = arith.constant 14336 : i32
    %add3A_1136 = arith.addi %add3A_1135, %mul3A_2 : i32
    "tpu.region"() ({
      %run_scoped3A = tpu.sem_alloc : memref<!tpu.dma_semaphore, #tpu.memory_space<semaphore_mem>>
      %dma_start3A = arith.constant 448 : i32
      %dma_start3A_1137 = tpu.memref_slice %arg5[%dma_start3A] : memref<512xf32, #tpu.memory_space<vmem>> -> memref<64xf32, #tpu.memory_space<vmem>>
      %dma_start3A_1138 = tpu.memref_slice %arg3[%add3A_1136] : memref<16384xf32, #tpu.memory_space<hbm>> -> memref<64xf32, #tpu.memory_space<hbm>>
      %dma_start3A_1139 = tpu.memref_slice %arg3[%add3A_1136] : memref<16384xf32, #tpu.memory_space<hbm>> -> memref<64xf32, #tpu.memory_space<hbm>>
      %dma_start3A_1140 = arith.constant 448 : i32
      %dma_start3A_1141 = tpu.memref_slice %arg5[%dma_start3A_1140] : memref<512xf32, #tpu.memory_space<vmem>> -> memref<64xf32, #tpu.memory_space<vmem>>
      tpu.enqueue_dma source(%dma_start3A_1141 : memref<64xf32, #tpu.memory_space<vmem>>) target(%dma_start3A_1139 : memref<64xf32, #tpu.memory_space<hbm>>) target_semaphore(%run_scoped3A : memref<!tpu.dma_semaphore, #tpu.memory_space<semaphore_mem>>)
      %dma_wait3A = arith.constant 448 : i32
      %dma_wait3A_1142 = tpu.memref_slice %arg5[%dma_wait3A] : memref<512xf32, #tpu.memory_space<vmem>> -> memref<64xf32, #tpu.memory_space<vmem>>
      %dma_wait3A_1143 = tpu.memref_slice %arg3[%add3A_1136] : memref<16384xf32, #tpu.memory_space<hbm>> -> memref<64xf32, #tpu.memory_space<hbm>>
      %dma_wait3A_1144 = tpu.memref_slice %arg3[%add3A_1136] : memref<16384xf32, #tpu.memory_space<hbm>> -> memref<64xf32, #tpu.memory_space<hbm>>
      %dma_wait3A_1145 = arith.constant 448 : i32
      %dma_wait3A_1146 = tpu.memref_slice %arg5[%dma_wait3A_1145] : memref<512xf32, #tpu.memory_space<vmem>> -> memref<64xf32, #tpu.memory_space<vmem>>
      tpu.wait_dma2 semaphore(%run_scoped3A : memref<!tpu.dma_semaphore, #tpu.memory_space<semaphore_mem>>) src(%dma_wait3A_1146 : memref<64xf32, #tpu.memory_space<vmem>>) dst(%dma_wait3A_1144 : memref<64xf32, #tpu.memory_space<hbm>>)
      tpu.yield
    }) : () -> ()
    return
  }
}

module attributes {stable_mosaic.version = 14 : i64} {
  func.func @_experts_kernel(%arg0: i32, %arg1: memref<256x768xf32, #tpu.memory_space<vmem>>, %arg2: memref<8x256xf32, #tpu.memory_space<vmem>>, %arg3: memref<8x768x128xf32, #tpu.memory_space<vmem>>, %arg4: memref<8x128x768xf32, #tpu.memory_space<vmem>>, %arg5: memref<256x768xf32, #tpu.memory_space<vmem>>) attributes {dimension_semantics = [#tpu.dimension_semantics<arbitrary>], iteration_bounds = array<i64: 8>, scalar_prefetch = 0 : i64, scratch_operands = 0 : i64, tpu.core_type = #tpu.core_type<tc>, window_params = [{transform_indices = @transform_0, window_bounds = array<i64: 256, 768>}, {transform_indices = @transform_1, window_bounds = array<i64: 8, 256>}, {pipeline_mode = #tpu.pipeline_mode<synchronous>, transform_indices = @transform_2, window_bounds = array<i64: 8, 768, 128>}, {pipeline_mode = #tpu.pipeline_mode<synchronous>, transform_indices = @transform_3, window_bounds = array<i64: 8, 128, 768>}, {transform_indices = @transform_4, window_bounds = array<i64: 256, 768>}]} {
    %get3A = arith.constant 0 : index
    %get3A_0 = arith.constant 0 : index
    %get3A_1 = vector.load %arg1[%get3A, %get3A_0] : memref<256x768xf32, #tpu.memory_space<vmem>>, vector<256x768xf32>
    %get3A_2 = arith.constant 0 : index
    %get3A_3 = arith.constant 0 : index
    %get3A_4 = vector.load %arg2[%get3A_2, %get3A_3] : memref<8x256xf32, #tpu.memory_space<vmem>>, vector<8x256xf32>
    %transpose3A = tpu.transpose %get3A_4, [1, 0] : vector<8x256xf32> -> vector<256x8xf32>
    %broadcast_in_dim3A = arith.constant 0.000000e+00 : f32
    %broadcast_in_dim3A_5 = vector.broadcast %broadcast_in_dim3A : f32 to vector<256x768xf32>
    %get3A_6 = arith.constant 0 : index
    %get3A_7 = arith.constant 0 : index
    %get3A_8 = arith.constant 0 : index
    %get3A_9 = vector.load %arg3[%get3A_6, %get3A_7, %get3A_8] : memref<8x768x128xf32, #tpu.memory_space<vmem>>, vector<1x768x128xf32>
    %get3A_10 = vector.shape_cast %get3A_9 : vector<1x768x128xf32> to vector<768x128xf32>
    %dot_general3A = arith.constant dense<0.000000e+00> : vector<256x128xf32>
    %dot_general3A_11 = tpu.matmul %get3A_1, %get3A_10, %dot_general3A {dimension_numbers = #tpu.dot_dimension_numbers<[1], [0], [0], [1], [0, 0, 1, 1], [], []>, transpose_lhs_hint = false} : vector<256x768xf32>, vector<768x128xf32>, vector<256x128xf32> -> vector<256x128xf32>
    %max3A = arith.constant 0.000000e+00 : f32
    %max3A_12 = vector.broadcast %max3A : f32 to vector<256x128xf32>
    %max3A_13 = arith.maximumf %dot_general3A_11, %max3A_12 : vector<256x128xf32>
    %get3A_14 = arith.constant 0 : index
    %get3A_15 = arith.constant 0 : index
    %get3A_16 = arith.constant 0 : index
    %get3A_17 = vector.load %arg4[%get3A_14, %get3A_15, %get3A_16] : memref<8x128x768xf32, #tpu.memory_space<vmem>>, vector<1x128x768xf32>
    %get3A_18 = vector.shape_cast %get3A_17 : vector<1x128x768xf32> to vector<128x768xf32>
    %dot_general3A_19 = arith.constant dense<0.000000e+00> : vector<256x768xf32>
    %dot_general3A_20 = tpu.matmul %max3A_13, %get3A_18, %dot_general3A_19 {dimension_numbers = #tpu.dot_dimension_numbers<[1], [0], [0], [1], [0, 0, 1, 1], [], []>, transpose_lhs_hint = false} : vector<256x128xf32>, vector<128x768xf32>, vector<256x768xf32> -> vector<256x768xf32>
    %max3A_21 = arith.constant 0.000000e+00 : f32
    %max3A_22 = vector.broadcast %max3A_21 : f32 to vector<256x768xf32>
    %max3A_23 = arith.maximumf %dot_general3A_20, %max3A_22 : vector<256x768xf32>
    %slice3A = vector.extract_strided_slice %transpose3A {offsets = [0, 0], sizes = [256, 1], strides = [1, 1]} : vector<256x8xf32> to vector<256x1xf32>
    %squeeze3A = vector.shape_cast %slice3A : vector<256x1xf32> to vector<256xf32>
    %broadcast_in_dim3A_24 = vector.shape_cast %squeeze3A : vector<256xf32> to vector<256x1xf32>
    %mul3A = vector.broadcast %broadcast_in_dim3A_24 : vector<256x1xf32> to vector<256x768xf32>
    %mul3A_25 = arith.mulf %max3A_23, %mul3A : vector<256x768xf32>
    %add3A = arith.addf %broadcast_in_dim3A_5, %mul3A_25 : vector<256x768xf32>
    %get3A_26 = arith.constant 1 : index
    %get3A_27 = arith.constant 0 : index
    %get3A_28 = arith.constant 0 : index
    %get3A_29 = vector.load %arg3[%get3A_26, %get3A_27, %get3A_28] : memref<8x768x128xf32, #tpu.memory_space<vmem>>, vector<1x768x128xf32>
    %get3A_30 = vector.shape_cast %get3A_29 : vector<1x768x128xf32> to vector<768x128xf32>
    %dot_general3A_31 = arith.constant dense<0.000000e+00> : vector<256x128xf32>
    %dot_general3A_32 = tpu.matmul %get3A_1, %get3A_30, %dot_general3A_31 {dimension_numbers = #tpu.dot_dimension_numbers<[1], [0], [0], [1], [0, 0, 1, 1], [], []>, transpose_lhs_hint = false} : vector<256x768xf32>, vector<768x128xf32>, vector<256x128xf32> -> vector<256x128xf32>
    %max3A_33 = arith.constant 0.000000e+00 : f32
    %max3A_34 = vector.broadcast %max3A_33 : f32 to vector<256x128xf32>
    %max3A_35 = arith.maximumf %dot_general3A_32, %max3A_34 : vector<256x128xf32>
    %get3A_36 = arith.constant 1 : index
    %get3A_37 = arith.constant 0 : index
    %get3A_38 = arith.constant 0 : index
    %get3A_39 = vector.load %arg4[%get3A_36, %get3A_37, %get3A_38] : memref<8x128x768xf32, #tpu.memory_space<vmem>>, vector<1x128x768xf32>
    %get3A_40 = vector.shape_cast %get3A_39 : vector<1x128x768xf32> to vector<128x768xf32>
    %dot_general3A_41 = arith.constant dense<0.000000e+00> : vector<256x768xf32>
    %dot_general3A_42 = tpu.matmul %max3A_35, %get3A_40, %dot_general3A_41 {dimension_numbers = #tpu.dot_dimension_numbers<[1], [0], [0], [1], [0, 0, 1, 1], [], []>, transpose_lhs_hint = false} : vector<256x128xf32>, vector<128x768xf32>, vector<256x768xf32> -> vector<256x768xf32>
    %max3A_43 = arith.constant 0.000000e+00 : f32
    %max3A_44 = vector.broadcast %max3A_43 : f32 to vector<256x768xf32>
    %max3A_45 = arith.maximumf %dot_general3A_42, %max3A_44 : vector<256x768xf32>
    %slice3A_46 = vector.extract_strided_slice %transpose3A {offsets = [0, 1], sizes = [256, 1], strides = [1, 1]} : vector<256x8xf32> to vector<256x1xf32>
    %squeeze3A_47 = vector.shape_cast %slice3A_46 : vector<256x1xf32> to vector<256xf32>
    %broadcast_in_dim3A_48 = vector.shape_cast %squeeze3A_47 : vector<256xf32> to vector<256x1xf32>
    %mul3A_49 = vector.broadcast %broadcast_in_dim3A_48 : vector<256x1xf32> to vector<256x768xf32>
    %mul3A_50 = arith.mulf %max3A_45, %mul3A_49 : vector<256x768xf32>
    %add3A_51 = arith.addf %add3A, %mul3A_50 : vector<256x768xf32>
    %get3A_52 = arith.constant 2 : index
    %get3A_53 = arith.constant 0 : index
    %get3A_54 = arith.constant 0 : index
    %get3A_55 = vector.load %arg3[%get3A_52, %get3A_53, %get3A_54] : memref<8x768x128xf32, #tpu.memory_space<vmem>>, vector<1x768x128xf32>
    %get3A_56 = vector.shape_cast %get3A_55 : vector<1x768x128xf32> to vector<768x128xf32>
    %dot_general3A_57 = arith.constant dense<0.000000e+00> : vector<256x128xf32>
    %dot_general3A_58 = tpu.matmul %get3A_1, %get3A_56, %dot_general3A_57 {dimension_numbers = #tpu.dot_dimension_numbers<[1], [0], [0], [1], [0, 0, 1, 1], [], []>, transpose_lhs_hint = false} : vector<256x768xf32>, vector<768x128xf32>, vector<256x128xf32> -> vector<256x128xf32>
    %max3A_59 = arith.constant 0.000000e+00 : f32
    %max3A_60 = vector.broadcast %max3A_59 : f32 to vector<256x128xf32>
    %max3A_61 = arith.maximumf %dot_general3A_58, %max3A_60 : vector<256x128xf32>
    %get3A_62 = arith.constant 2 : index
    %get3A_63 = arith.constant 0 : index
    %get3A_64 = arith.constant 0 : index
    %get3A_65 = vector.load %arg4[%get3A_62, %get3A_63, %get3A_64] : memref<8x128x768xf32, #tpu.memory_space<vmem>>, vector<1x128x768xf32>
    %get3A_66 = vector.shape_cast %get3A_65 : vector<1x128x768xf32> to vector<128x768xf32>
    %dot_general3A_67 = arith.constant dense<0.000000e+00> : vector<256x768xf32>
    %dot_general3A_68 = tpu.matmul %max3A_61, %get3A_66, %dot_general3A_67 {dimension_numbers = #tpu.dot_dimension_numbers<[1], [0], [0], [1], [0, 0, 1, 1], [], []>, transpose_lhs_hint = false} : vector<256x128xf32>, vector<128x768xf32>, vector<256x768xf32> -> vector<256x768xf32>
    %max3A_69 = arith.constant 0.000000e+00 : f32
    %max3A_70 = vector.broadcast %max3A_69 : f32 to vector<256x768xf32>
    %max3A_71 = arith.maximumf %dot_general3A_68, %max3A_70 : vector<256x768xf32>
    %slice3A_72 = vector.extract_strided_slice %transpose3A {offsets = [0, 2], sizes = [256, 1], strides = [1, 1]} : vector<256x8xf32> to vector<256x1xf32>
    %squeeze3A_73 = vector.shape_cast %slice3A_72 : vector<256x1xf32> to vector<256xf32>
    %broadcast_in_dim3A_74 = vector.shape_cast %squeeze3A_73 : vector<256xf32> to vector<256x1xf32>
    %mul3A_75 = vector.broadcast %broadcast_in_dim3A_74 : vector<256x1xf32> to vector<256x768xf32>
    %mul3A_76 = arith.mulf %max3A_71, %mul3A_75 : vector<256x768xf32>
    %add3A_77 = arith.addf %add3A_51, %mul3A_76 : vector<256x768xf32>
    %get3A_78 = arith.constant 3 : index
    %get3A_79 = arith.constant 0 : index
    %get3A_80 = arith.constant 0 : index
    %get3A_81 = vector.load %arg3[%get3A_78, %get3A_79, %get3A_80] : memref<8x768x128xf32, #tpu.memory_space<vmem>>, vector<1x768x128xf32>
    %get3A_82 = vector.shape_cast %get3A_81 : vector<1x768x128xf32> to vector<768x128xf32>
    %dot_general3A_83 = arith.constant dense<0.000000e+00> : vector<256x128xf32>
    %dot_general3A_84 = tpu.matmul %get3A_1, %get3A_82, %dot_general3A_83 {dimension_numbers = #tpu.dot_dimension_numbers<[1], [0], [0], [1], [0, 0, 1, 1], [], []>, transpose_lhs_hint = false} : vector<256x768xf32>, vector<768x128xf32>, vector<256x128xf32> -> vector<256x128xf32>
    %max3A_85 = arith.constant 0.000000e+00 : f32
    %max3A_86 = vector.broadcast %max3A_85 : f32 to vector<256x128xf32>
    %max3A_87 = arith.maximumf %dot_general3A_84, %max3A_86 : vector<256x128xf32>
    %get3A_88 = arith.constant 3 : index
    %get3A_89 = arith.constant 0 : index
    %get3A_90 = arith.constant 0 : index
    %get3A_91 = vector.load %arg4[%get3A_88, %get3A_89, %get3A_90] : memref<8x128x768xf32, #tpu.memory_space<vmem>>, vector<1x128x768xf32>
    %get3A_92 = vector.shape_cast %get3A_91 : vector<1x128x768xf32> to vector<128x768xf32>
    %dot_general3A_93 = arith.constant dense<0.000000e+00> : vector<256x768xf32>
    %dot_general3A_94 = tpu.matmul %max3A_87, %get3A_92, %dot_general3A_93 {dimension_numbers = #tpu.dot_dimension_numbers<[1], [0], [0], [1], [0, 0, 1, 1], [], []>, transpose_lhs_hint = false} : vector<256x128xf32>, vector<128x768xf32>, vector<256x768xf32> -> vector<256x768xf32>
    %max3A_95 = arith.constant 0.000000e+00 : f32
    %max3A_96 = vector.broadcast %max3A_95 : f32 to vector<256x768xf32>
    %max3A_97 = arith.maximumf %dot_general3A_94, %max3A_96 : vector<256x768xf32>
    %slice3A_98 = vector.extract_strided_slice %transpose3A {offsets = [0, 3], sizes = [256, 1], strides = [1, 1]} : vector<256x8xf32> to vector<256x1xf32>
    %squeeze3A_99 = vector.shape_cast %slice3A_98 : vector<256x1xf32> to vector<256xf32>
    %broadcast_in_dim3A_100 = vector.shape_cast %squeeze3A_99 : vector<256xf32> to vector<256x1xf32>
    %mul3A_101 = vector.broadcast %broadcast_in_dim3A_100 : vector<256x1xf32> to vector<256x768xf32>
    %mul3A_102 = arith.mulf %max3A_97, %mul3A_101 : vector<256x768xf32>
    %add3A_103 = arith.addf %add3A_77, %mul3A_102 : vector<256x768xf32>
    %get3A_104 = arith.constant 4 : index
    %get3A_105 = arith.constant 0 : index
    %get3A_106 = arith.constant 0 : index
    %get3A_107 = vector.load %arg3[%get3A_104, %get3A_105, %get3A_106] : memref<8x768x128xf32, #tpu.memory_space<vmem>>, vector<1x768x128xf32>
    %get3A_108 = vector.shape_cast %get3A_107 : vector<1x768x128xf32> to vector<768x128xf32>
    %dot_general3A_109 = arith.constant dense<0.000000e+00> : vector<256x128xf32>
    %dot_general3A_110 = tpu.matmul %get3A_1, %get3A_108, %dot_general3A_109 {dimension_numbers = #tpu.dot_dimension_numbers<[1], [0], [0], [1], [0, 0, 1, 1], [], []>, transpose_lhs_hint = false} : vector<256x768xf32>, vector<768x128xf32>, vector<256x128xf32> -> vector<256x128xf32>
    %max3A_111 = arith.constant 0.000000e+00 : f32
    %max3A_112 = vector.broadcast %max3A_111 : f32 to vector<256x128xf32>
    %max3A_113 = arith.maximumf %dot_general3A_110, %max3A_112 : vector<256x128xf32>
    %get3A_114 = arith.constant 4 : index
    %get3A_115 = arith.constant 0 : index
    %get3A_116 = arith.constant 0 : index
    %get3A_117 = vector.load %arg4[%get3A_114, %get3A_115, %get3A_116] : memref<8x128x768xf32, #tpu.memory_space<vmem>>, vector<1x128x768xf32>
    %get3A_118 = vector.shape_cast %get3A_117 : vector<1x128x768xf32> to vector<128x768xf32>
    %dot_general3A_119 = arith.constant dense<0.000000e+00> : vector<256x768xf32>
    %dot_general3A_120 = tpu.matmul %max3A_113, %get3A_118, %dot_general3A_119 {dimension_numbers = #tpu.dot_dimension_numbers<[1], [0], [0], [1], [0, 0, 1, 1], [], []>, transpose_lhs_hint = false} : vector<256x128xf32>, vector<128x768xf32>, vector<256x768xf32> -> vector<256x768xf32>
    %max3A_121 = arith.constant 0.000000e+00 : f32
    %max3A_122 = vector.broadcast %max3A_121 : f32 to vector<256x768xf32>
    %max3A_123 = arith.maximumf %dot_general3A_120, %max3A_122 : vector<256x768xf32>
    %slice3A_124 = vector.extract_strided_slice %transpose3A {offsets = [0, 4], sizes = [256, 1], strides = [1, 1]} : vector<256x8xf32> to vector<256x1xf32>
    %squeeze3A_125 = vector.shape_cast %slice3A_124 : vector<256x1xf32> to vector<256xf32>
    %broadcast_in_dim3A_126 = vector.shape_cast %squeeze3A_125 : vector<256xf32> to vector<256x1xf32>
    %mul3A_127 = vector.broadcast %broadcast_in_dim3A_126 : vector<256x1xf32> to vector<256x768xf32>
    %mul3A_128 = arith.mulf %max3A_123, %mul3A_127 : vector<256x768xf32>
    %add3A_129 = arith.addf %add3A_103, %mul3A_128 : vector<256x768xf32>
    %get3A_130 = arith.constant 5 : index
    %get3A_131 = arith.constant 0 : index
    %get3A_132 = arith.constant 0 : index
    %get3A_133 = vector.load %arg3[%get3A_130, %get3A_131, %get3A_132] : memref<8x768x128xf32, #tpu.memory_space<vmem>>, vector<1x768x128xf32>
    %get3A_134 = vector.shape_cast %get3A_133 : vector<1x768x128xf32> to vector<768x128xf32>
    %dot_general3A_135 = arith.constant dense<0.000000e+00> : vector<256x128xf32>
    %dot_general3A_136 = tpu.matmul %get3A_1, %get3A_134, %dot_general3A_135 {dimension_numbers = #tpu.dot_dimension_numbers<[1], [0], [0], [1], [0, 0, 1, 1], [], []>, transpose_lhs_hint = false} : vector<256x768xf32>, vector<768x128xf32>, vector<256x128xf32> -> vector<256x128xf32>
    %max3A_137 = arith.constant 0.000000e+00 : f32
    %max3A_138 = vector.broadcast %max3A_137 : f32 to vector<256x128xf32>
    %max3A_139 = arith.maximumf %dot_general3A_136, %max3A_138 : vector<256x128xf32>
    %get3A_140 = arith.constant 5 : index
    %get3A_141 = arith.constant 0 : index
    %get3A_142 = arith.constant 0 : index
    %get3A_143 = vector.load %arg4[%get3A_140, %get3A_141, %get3A_142] : memref<8x128x768xf32, #tpu.memory_space<vmem>>, vector<1x128x768xf32>
    %get3A_144 = vector.shape_cast %get3A_143 : vector<1x128x768xf32> to vector<128x768xf32>
    %dot_general3A_145 = arith.constant dense<0.000000e+00> : vector<256x768xf32>
    %dot_general3A_146 = tpu.matmul %max3A_139, %get3A_144, %dot_general3A_145 {dimension_numbers = #tpu.dot_dimension_numbers<[1], [0], [0], [1], [0, 0, 1, 1], [], []>, transpose_lhs_hint = false} : vector<256x128xf32>, vector<128x768xf32>, vector<256x768xf32> -> vector<256x768xf32>
    %max3A_147 = arith.constant 0.000000e+00 : f32
    %max3A_148 = vector.broadcast %max3A_147 : f32 to vector<256x768xf32>
    %max3A_149 = arith.maximumf %dot_general3A_146, %max3A_148 : vector<256x768xf32>
    %slice3A_150 = vector.extract_strided_slice %transpose3A {offsets = [0, 5], sizes = [256, 1], strides = [1, 1]} : vector<256x8xf32> to vector<256x1xf32>
    %squeeze3A_151 = vector.shape_cast %slice3A_150 : vector<256x1xf32> to vector<256xf32>
    %broadcast_in_dim3A_152 = vector.shape_cast %squeeze3A_151 : vector<256xf32> to vector<256x1xf32>
    %mul3A_153 = vector.broadcast %broadcast_in_dim3A_152 : vector<256x1xf32> to vector<256x768xf32>
    %mul3A_154 = arith.mulf %max3A_149, %mul3A_153 : vector<256x768xf32>
    %add3A_155 = arith.addf %add3A_129, %mul3A_154 : vector<256x768xf32>
    %get3A_156 = arith.constant 6 : index
    %get3A_157 = arith.constant 0 : index
    %get3A_158 = arith.constant 0 : index
    %get3A_159 = vector.load %arg3[%get3A_156, %get3A_157, %get3A_158] : memref<8x768x128xf32, #tpu.memory_space<vmem>>, vector<1x768x128xf32>
    %get3A_160 = vector.shape_cast %get3A_159 : vector<1x768x128xf32> to vector<768x128xf32>
    %dot_general3A_161 = arith.constant dense<0.000000e+00> : vector<256x128xf32>
    %dot_general3A_162 = tpu.matmul %get3A_1, %get3A_160, %dot_general3A_161 {dimension_numbers = #tpu.dot_dimension_numbers<[1], [0], [0], [1], [0, 0, 1, 1], [], []>, transpose_lhs_hint = false} : vector<256x768xf32>, vector<768x128xf32>, vector<256x128xf32> -> vector<256x128xf32>
    %max3A_163 = arith.constant 0.000000e+00 : f32
    %max3A_164 = vector.broadcast %max3A_163 : f32 to vector<256x128xf32>
    %max3A_165 = arith.maximumf %dot_general3A_162, %max3A_164 : vector<256x128xf32>
    %get3A_166 = arith.constant 6 : index
    %get3A_167 = arith.constant 0 : index
    %get3A_168 = arith.constant 0 : index
    %get3A_169 = vector.load %arg4[%get3A_166, %get3A_167, %get3A_168] : memref<8x128x768xf32, #tpu.memory_space<vmem>>, vector<1x128x768xf32>
    %get3A_170 = vector.shape_cast %get3A_169 : vector<1x128x768xf32> to vector<128x768xf32>
    %dot_general3A_171 = arith.constant dense<0.000000e+00> : vector<256x768xf32>
    %dot_general3A_172 = tpu.matmul %max3A_165, %get3A_170, %dot_general3A_171 {dimension_numbers = #tpu.dot_dimension_numbers<[1], [0], [0], [1], [0, 0, 1, 1], [], []>, transpose_lhs_hint = false} : vector<256x128xf32>, vector<128x768xf32>, vector<256x768xf32> -> vector<256x768xf32>
    %max3A_173 = arith.constant 0.000000e+00 : f32
    %max3A_174 = vector.broadcast %max3A_173 : f32 to vector<256x768xf32>
    %max3A_175 = arith.maximumf %dot_general3A_172, %max3A_174 : vector<256x768xf32>
    %slice3A_176 = vector.extract_strided_slice %transpose3A {offsets = [0, 6], sizes = [256, 1], strides = [1, 1]} : vector<256x8xf32> to vector<256x1xf32>
    %squeeze3A_177 = vector.shape_cast %slice3A_176 : vector<256x1xf32> to vector<256xf32>
    %broadcast_in_dim3A_178 = vector.shape_cast %squeeze3A_177 : vector<256xf32> to vector<256x1xf32>
    %mul3A_179 = vector.broadcast %broadcast_in_dim3A_178 : vector<256x1xf32> to vector<256x768xf32>
    %mul3A_180 = arith.mulf %max3A_175, %mul3A_179 : vector<256x768xf32>
    %add3A_181 = arith.addf %add3A_155, %mul3A_180 : vector<256x768xf32>
    %get3A_182 = arith.constant 7 : index
    %get3A_183 = arith.constant 0 : index
    %get3A_184 = arith.constant 0 : index
    %get3A_185 = vector.load %arg3[%get3A_182, %get3A_183, %get3A_184] : memref<8x768x128xf32, #tpu.memory_space<vmem>>, vector<1x768x128xf32>
    %get3A_186 = vector.shape_cast %get3A_185 : vector<1x768x128xf32> to vector<768x128xf32>
    %dot_general3A_187 = arith.constant dense<0.000000e+00> : vector<256x128xf32>
    %dot_general3A_188 = tpu.matmul %get3A_1, %get3A_186, %dot_general3A_187 {dimension_numbers = #tpu.dot_dimension_numbers<[1], [0], [0], [1], [0, 0, 1, 1], [], []>, transpose_lhs_hint = false} : vector<256x768xf32>, vector<768x128xf32>, vector<256x128xf32> -> vector<256x128xf32>
    %max3A_189 = arith.constant 0.000000e+00 : f32
    %max3A_190 = vector.broadcast %max3A_189 : f32 to vector<256x128xf32>
    %max3A_191 = arith.maximumf %dot_general3A_188, %max3A_190 : vector<256x128xf32>
    %get3A_192 = arith.constant 7 : index
    %get3A_193 = arith.constant 0 : index
    %get3A_194 = arith.constant 0 : index
    %get3A_195 = vector.load %arg4[%get3A_192, %get3A_193, %get3A_194] : memref<8x128x768xf32, #tpu.memory_space<vmem>>, vector<1x128x768xf32>
    %get3A_196 = vector.shape_cast %get3A_195 : vector<1x128x768xf32> to vector<128x768xf32>
    %dot_general3A_197 = arith.constant dense<0.000000e+00> : vector<256x768xf32>
    %dot_general3A_198 = tpu.matmul %max3A_191, %get3A_196, %dot_general3A_197 {dimension_numbers = #tpu.dot_dimension_numbers<[1], [0], [0], [1], [0, 0, 1, 1], [], []>, transpose_lhs_hint = false} : vector<256x128xf32>, vector<128x768xf32>, vector<256x768xf32> -> vector<256x768xf32>
    %max3A_199 = arith.constant 0.000000e+00 : f32
    %max3A_200 = vector.broadcast %max3A_199 : f32 to vector<256x768xf32>
    %max3A_201 = arith.maximumf %dot_general3A_198, %max3A_200 : vector<256x768xf32>
    %slice3A_202 = vector.extract_strided_slice %transpose3A {offsets = [0, 7], sizes = [256, 1], strides = [1, 1]} : vector<256x8xf32> to vector<256x1xf32>
    %squeeze3A_203 = vector.shape_cast %slice3A_202 : vector<256x1xf32> to vector<256xf32>
    %broadcast_in_dim3A_204 = vector.shape_cast %squeeze3A_203 : vector<256xf32> to vector<256x1xf32>
    %mul3A_205 = vector.broadcast %broadcast_in_dim3A_204 : vector<256x1xf32> to vector<256x768xf32>
    %mul3A_206 = arith.mulf %max3A_201, %mul3A_205 : vector<256x768xf32>
    %add3A_207 = arith.addf %add3A_181, %mul3A_206 : vector<256x768xf32>
    %swap3A = arith.constant 0 : index
    %swap3A_208 = arith.constant 0 : index
    %swap3A_209 = vector.load %arg5[%swap3A, %swap3A_208] : memref<256x768xf32, #tpu.memory_space<vmem>>, vector<256x768xf32>
    tpu.vector_store %arg5[%swap3A, %swap3A_208], %add3A_207 {strides = array<i32>} : memref<256x768xf32, #tpu.memory_space<vmem>>, vector<256x768xf32>,
    return
  }
  func.func @transform_0(%arg0: i32) -> (i32, i32) {
    %c0_i32 = arith.constant 0 : i32
    %c0_i32_0 = arith.constant 0 : i32
    return %arg0, %c0_i32 : i32, i32
  }
  func.func @transform_1(%arg0: i32) -> (i32, i32) {
    %c0_i32 = arith.constant 0 : i32
    %c0_i32_0 = arith.constant 0 : i32
    return %c0_i32, %arg0 : i32, i32
  }
  func.func @transform_2(%arg0: i32) -> (i32, i32, i32) {
    %c0_i32 = arith.constant 0 : i32
    %c0_i32_0 = arith.constant 0 : i32
    %c0_i32_1 = arith.constant 0 : i32
    %c0_i32_2 = arith.constant 0 : i32
    return %c0_i32, %c0_i32_0, %c0_i32_1 : i32, i32, i32
  }
  func.func @transform_3(%arg0: i32) -> (i32, i32, i32) {
    %c0_i32 = arith.constant 0 : i32
    %c0_i32_0 = arith.constant 0 : i32
    %c0_i32_1 = arith.constant 0 : i32
    %c0_i32_2 = arith.constant 0 : i32
    return %c0_i32, %c0_i32_0, %c0_i32_1 : i32, i32, i32
  }
  func.func @transform_4(%arg0: i32) -> (i32, i32) {
    %c0_i32 = arith.constant 0 : i32
    %c0_i32_0 = arith.constant 0 : i32
    return %arg0, %c0_i32 : i32, i32
  }
}

module attributes {stable_mosaic.version = 14 : i64} {
  func.func @_logits_kernel(%arg0: i32, %arg1: memref<256x768xf32, #tpu.memory_space<vmem>>, %arg2: memref<8x768xf32, #tpu.memory_space<vmem>>, %arg3: memref<8x256xf32, #tpu.memory_space<vmem>>) attributes {dimension_semantics = [#tpu.dimension_semantics<arbitrary>], iteration_bounds = array<i64: 8>, scalar_prefetch = 0 : i64, scratch_operands = 0 : i64, tpu.core_type = #tpu.core_type<tc>, window_params = [{transform_indices = @transform_0, window_bounds = array<i64: 256, 768>}, {pipeline_mode = #tpu.pipeline_mode<synchronous>, transform_indices = @transform_1, window_bounds = array<i64: 8, 768>}, {transform_indices = @transform_2, window_bounds = array<i64: 8, 256>}]} {
    %get3A = arith.constant 0 : index
    %get3A_0 = arith.constant 0 : index
    %get3A_1 = vector.load %arg2[%get3A, %get3A_0] : memref<8x768xf32, #tpu.memory_space<vmem>>, vector<8x768xf32>
    %get3A_2 = arith.constant 0 : index
    %get3A_3 = arith.constant 0 : index
    %get3A_4 = vector.load %arg1[%get3A_2, %get3A_3] : memref<256x768xf32, #tpu.memory_space<vmem>>, vector<256x768xf32>
    %dot_general3A = arith.constant dense<0.000000e+00> : vector<8x256xf32>
    %dot_general3A_5 = tpu.matmul %get3A_1, %get3A_4, %dot_general3A {dimension_numbers = #tpu.dot_dimension_numbers<[1], [1], [0], [0], [0, 0, 1, 0], [], []>, transpose_lhs_hint = false} : vector<8x768xf32>, vector<256x768xf32>, vector<8x256xf32> -> vector<8x256xf32>
    %max3A = arith.constant 0.000000e+00 : f32
    %max3A_6 = vector.broadcast %max3A : f32 to vector<8x256xf32>
    %max3A_7 = arith.maximumf %dot_general3A_5, %max3A_6 : vector<8x256xf32>
    %swap3A = arith.constant 0 : index
    %swap3A_8 = arith.constant 0 : index
    %swap3A_9 = vector.load %arg3[%swap3A, %swap3A_8] : memref<8x256xf32, #tpu.memory_space<vmem>>, vector<8x256xf32>
    tpu.vector_store %arg3[%swap3A, %swap3A_8], %max3A_7 {strides = array<i32>} : memref<8x256xf32, #tpu.memory_space<vmem>>, vector<8x256xf32>,
    return
  }
  func.func @transform_0(%arg0: i32) -> (i32, i32) {
    %c0_i32 = arith.constant 0 : i32
    %c0_i32_0 = arith.constant 0 : i32
    return %arg0, %c0_i32 : i32, i32
  }
  func.func @transform_1(%arg0: i32) -> (i32, i32) {
    %c0_i32 = arith.constant 0 : i32
    %c0_i32_0 = arith.constant 0 : i32
    %c0_i32_1 = arith.constant 0 : i32
    return %c0_i32, %c0_i32_0 : i32, i32
  }
  func.func @transform_2(%arg0: i32) -> (i32, i32) {
    %c0_i32 = arith.constant 0 : i32
    %c0_i32_0 = arith.constant 0 : i32
    return %c0_i32, %arg0 : i32, i32
  }
}

</mosaic_0001>

<sc_bundles>
// kernel: kernel.5.cloned.1.call-start
scs
__scs_entry_jumppad:
0x0: {  	(pc) =	sbr.rel $0x88, $3  }
0x1: {  	(tag) =	ssettag $0x0;
	lr =	simm.s32 $0x1  }
0x2: {  	[smem:$0x3F9D] =	sst lr;
	_ =	strace $0xD0000000  }
0x3: {  	_ = 	snop  }
0x4: {  	_ = 	snop  }
0x5: {  	_ = 	snop  }
0x6: {  	_ = 	snop  }
0x7: {  	_ = 	snop  }
__scs_overlays_trampoline_lowered:
0x8: {  	[smem:$0x3FAC] =	sst s0  }
0x9: {  	[smem:$0x3FAD] =	sst s1  }
0xa: {  	[smem:$0x3FAE] =	sst s2  }
0xb: {  	[smem:$0x3FAF] =	sst s3  }
0xc: {  	[smem:$0x3FB0] =	sst s4  }
0xd: {  	[smem:$0x3FB1] =	sst s5  }
0xe: {  	[smem:$0x3FB2] =	sst s6  }
0xf: {  	[smem:$0x3FB3] =	sst s7  }
0x10: {  	[smem:$0x3FB4] =	sst s8  }
0x11: {  	[smem:$0x3FB5] =	sst s9;
	s0 =	simm.s32 @!p0 $0x0  }
0x12: {  	s1 =	sld [smem:$0x3F9B];
	s0 =	simm.s32 @p0 $0x1  }
0x13: {  	[smem:$0x3FB6] =	sst s0;
	s0 =	simm.s32 @!p1 $0x0  }
0x14: {  	s2 =	sld [smem:$0x3F9A];
	s0 =	simm.s32 @p1 $0x1  }
0x15: {  	[smem:$0x3FB7] =	sst s0;
	s0 =	simm.s32 @!p2 $0x0  }
0x16: {  	s3 =	sld [smem:$0x3FDB];
	s0 =	simm.s32 @p2 $0x1  }
0x17: {  	s4 =	simm.s32 $0x1BF5;
	[smem:$0x3FB9] =	sst s0  }
0x18: {  	s0 =	sld [smem:$0x3F9C];
	_ =	swait.ge [sflag:s4], $0x0  }
0x19: {  	s7 =	sld [smem:$0x3F9D]  }
0x1a: {  	s8 =	sadd.s32 $0xFFFFE003, lr  }
0x1b: {  	s9 =	sadd.s32 $0xFFFFFEF7, lr;
	s5 =	simm.s32 $0xFFFFFFFF;
	p2 =	slt.u32 s8, $0xFFFFF086  }
0x1c: {  	p1 =	slt.u32 s9, $0xF7A;
	s5 =	simm.s32 @!p2 $0x0  }
0x1d: {  	s5 =	simm.s32 @p1 $0x1;
	p0 =	seq.s32 s7, s2  }
0x1e: {  	s7 =	smul.u32 @!p0 $0xF7A, s2;
	p2 =	seq.s32 @!p0 s5, $0x0  }
0x1f: {  	s9 =	smul.u32 $0xF7A, s1;
	s8 =	simm.s32 @!p0 $0x1BF5;
	p2 =	por !p2, p0  }
0x20: {  	[sflag:s8] =	ssyncset.s32 @!p0 $0xFFFFF086;
	s6 =	sadd.s32 @!p0 s3, s7;
	s7 =	simm.s32 @!p0 $0x108  }
0x21: {  	s3 =	sadd.s32 s3, s9;
	s6 =	sadd.s32 @!p0 $0x88, s6;
	s7 =	simm.s32 @p2 $0x1082  }
0x22: {  	[simem:s7], [sflag:s8] =	dma.local @!p0 [hbm:s6], $0xF7A  }
0x23: {  	s9 =	sor.u32 $0xD0000000, s2;
	s6 =	simm.s32 $0x108;
	_ =	swait.ge @!p0 [sflag:s8], $0x0  }
0x24: {  	s3 =	sadd.s32 $0x88, s3;
	s6 =	simm.s32 @!p1 $0x1082;
	[sflag:s4] =	ssyncset.s32 $0xFFFFF086  }
0x25: {  	[simem:s6], [sflag:s4] =	dma.local [hbm:s3], $0xF7A  }
0x26: {  	[smem:$0x3F9D] =	sst s1;
	(tag) =	ssettag s2;
	_ =	strace s9  }
0x27: {  	s1 =	sld [smem:$0x3FAD]  }
0x28: {  	s2 =	sld [smem:$0x3FAE]  }
0x29: {  	s4 =	sld [smem:$0x3FB0]  }
0x2a: {  	p0 =	seq.s32 s5, $0x0;
	s5 =	sld [smem:$0x3FB1]  }
0x2b: {  	s6 =	sld [smem:$0x3FB2]  }
0x2c: {  	s7 =	sld [smem:$0x3FB3]  }
0x2d: {  	s3 =	simm.s32 $0x108;
	s8 =	sld [smem:$0x3FB4]  }
0x2e: {  	s3 =	simm.s32 @!p0 $0x1082;
	s9 =	sld [smem:$0x3FB5]  }
0x2f: {  	lr =	sadd.s32 s0, s3;
	s0 =	sld [smem:$0x3FAC]  }
0x30: {  	s3 =	sld [smem:$0x3FAF]  }
0x31: {  	[smem:$0x3FB8] =	sst s10  }
0x32: {  	s10 =	sld [smem:$0x3FB6];
	_ =	sdelay $0x3  }
0x33: {  	p0 =	seq.s32 s10, $0x1;
	s10 =	sld [smem:$0x3FB8];
	_ =	sdelay $0x3  }
0x34: {  	[smem:$0x3FB8] =	sst s10  }
0x35: {  	s10 =	sld [smem:$0x3FB7];
	_ =	sdelay $0x3  }
0x36: {  	p1 =	seq.s32 s10, $0x1;
	s10 =	sld [smem:$0x3FB8];
	_ =	sdelay $0x3  }
0x37: {  	[smem:$0x3FB8] =	sst s10  }
0x38: {  	s10 =	sld [smem:$0x3FB9]  }
0x39: {  	_ = 	snop;
	(pc) =	sbr.ind lr, $3  }
0x3a: {  	_ = 	snop  }
0x3b: {  	_ = 	snop  }
0x3c: {  	p2 =	seq.s32 s10, $0x1;
	s10 =	sld [smem:$0x3FB8]  }
0x3d: {  	_ =	shalt  }
0x3e: {  	_ =	shalt  }
0x3f: {  	_ =	shalt  }
0x40: {  	_ =	shalt  }
0x41: {  	_ =	shalt  }
0x42: {  	_ =	shalt  }
0x43: {  	_ =	shalt  }
0x44: {  	_ =	shalt  }
0x45: {  	_ =	shalt  }
0x46: {  	_ =	shalt  }
0x47: {  	_ =	shalt  }
0x48: {  	_ =	shalt  }
0x49: {  	_ =	shalt  }
0x4a: {  	_ =	shalt  }
0x4b: {  	_ =	shalt  }
0x4c: {  	_ =	shalt  }
0x4d: {  	_ =	shalt  }
0x4e: {  	_ =	shalt  }
0x4f: {  	_ =	shalt  }
0x50: {  	_ =	shalt  }
0x51: {  	_ =	shalt  }
0x52: {  	_ =	shalt  }
0x53: {  	_ =	shalt  }
0x54: {  	_ =	shalt  }
0x55: {  	_ =	shalt  }
0x56: {  	_ =	shalt  }
0x57: {  	_ =	shalt  }
0x58: {  	_ =	shalt  }
0x59: {  	_ =	shalt  }
0x5a: {  	_ =	shalt  }
0x5b: {  	_ =	shalt  }
0x5c: {  	_ =	shalt  }
0x5d: {  	_ =	shalt  }
0x5e: {  	_ =	shalt  }
0x5f: {  	_ =	shalt  }
0x60: {  	_ =	shalt  }
0x61: {  	_ =	shalt  }
0x62: {  	_ =	shalt  }
0x63: {  	_ =	shalt  }
0x64: {  	_ =	shalt  }
0x65: {  	_ =	shalt  }
0x66: {  	_ =	shalt  }
0x67: {  	_ =	shalt  }
0x68: {  	_ =	shalt  }
0x69: {  	_ =	shalt  }
0x6a: {  	_ =	shalt  }
0x6b: {  	_ =	shalt  }
0x6c: {  	_ =	shalt  }
0x6d: {  	_ =	shalt  }
0x6e: {  	_ =	shalt  }
0x6f: {  	_ =	shalt  }
0x70: {  	_ =	shalt  }
0x71: {  	_ =	shalt  }
0x72: {  	_ =	shalt  }
0x73: {  	_ =	shalt  }
0x74: {  	_ =	shalt  }
0x75: {  	_ =	shalt  }
0x76: {  	_ =	shalt  }
0x77: {  	_ =	shalt  }
0x78: {  	_ =	shalt  }
0x79: {  	_ =	shalt  }
0x7a: {  	_ =	shalt  }
0x7b: {  	_ =	shalt  }
0x7c: {  	_ =	shalt  }
0x7d: {  	_ =	shalt  }
0x7e: {  	_ =	shalt  }
0x7f: {  	_ =	shalt  }
0x80: {  	_ =	shalt  }
0x81: {  	_ =	shalt  }
0x82: {  	_ =	shalt  }
0x83: {  	_ =	shalt  }
0x84: {  	_ =	shalt  }
0x85: {  	_ =	shalt  }
0x86: {  	_ =	shalt  }
0x87: {  	_ =	shalt  }
.Lfunc_end0:
.L_simem_size_0:
called_computation_lowered:
.L_overlay_start_0:
0x88: {  	s2 =	sld [smem:$0x3FD9]  }
0x89: {  	s3 =	sld [smem:$0x3FFE];
	_ =	sdelay $0x1  }
0x8a: {  	s1 =	srdreg.scid  }
0x8b: {  	s0 =	sand.u32 $0x1, s1  }
0x8c: {  	s17 =	sshll.u32 s0, $0xA;
	s2 =	sadd.s32 s3, s2  }
0x8d: {  	s2 =	sadd.s32 s2, s17  }
0x8e: {  	[smem:$0x3FC4] =	sst s2  }
0x8f: {  	_ = 	snop  }
0x90: {  	s2 =	sld [smem:$0x3FD0];
	(tm) =	ssettm $0x1  }
0x91: {  	s18 =	sld [smem:$0x3FFB];
	_ =	sdelay $0x3  }
0x92: {  	_ =	strace s18  }
0x93: {  	s3 =	sld [smem:$0x3FFC];
	_ =	sdelay $0x3  }
0x94: {  	_ =	strace s3  }
0x95: {  	s3 =	sld [smem:$0x3FFD];
	_ =	sdelay $0x3  }
0x96: {  	_ =	strace s3  }
0x97: {  	_ =	strace $0x8FFFFFFF  }
0x98: {  	s19 =	sld [smem:$0x3FDB];
	_ =	sdelay $0x1  }
0x99: {  	s4 =	simm.s32 $_scs_section_size  }
0x9a: {  	s5 =	simm.s32 $_size__tile_overlayer_lowered;
	s6 =	simm.s32 $_tile_overlayer_lowered  }
0x9b: {  	s22 =	simm.s32 $0x1BFF;
	s21 =	sshll.u32 s6, $0x1;
	s3 =	sadd.s32 s4, s19  }
0x9c: {  	s7 =	simm.s32 $0x0;
	s20 =	sshll.u32 s5, $0x1;
	s5 =	sadd.s32 s21, s3  }
0x9d: {  	[timem:s7], [sflag:s22] =	dma.local [hbm:s5], s20  }
0x9e: {  	_ =	swait.ge [sflag:s22], s20  }
0x9f: {  	s4 =	ssub.s32 $0x0, s20;
	[sflag:s22] =	ssyncset.done $0x0  }
0xa0: {  	[sflag:s22] =	ssyncadd.s32 s4;
	_ =	sdelay $0x1  }
0xa1: {  	s23 =	simm.s32 $0x1B8B  }
0xa2: {  	_ =	swait.ge [sflag:s23], $0x1  }
0xa3: {  	[sflag:s23] =	ssyncset.done $0x0  }
0xa4: {  	s25 =	simm.s32 $0x1B8E;
	s24 =	sld [smem:$0x3FFE];
	[sflag:s23] =	ssyncadd.s32 $0xFFFFFFFF  }
0xa5: {  	s26 =	simm.s32 $execute0_lowered;
	[smem:$0x3FD2] =	sst s25  }
0xa6: {  	s5 =	sshll.u32 s26, $0x1;
	_ =	strace $0x80000046;
	[dreg:$0x1] =	wrdreg $0xFFFFFFFF  }
0xa7: {  	s28 =	simm.s32 $_size_execute0_lowered;
	s3 =	sadd.s32 s3, s5;
	[dreg:$0x0] =	wrdreg $0x0  }
0xa8: {  	s5 =	sshll.u32 s28, $0x1;
	[dreg:$0x2] =	wrdreg s3  }
0xa9: {  	[dreg:$0x3] =	wrdreg s5  }
0xaa: {  	[dreg:$0x4] =	wrdreg $0xC0  }
0xab: {  	_ =	task [dreg:s7], $0x5FFFF  }
0xac: {  	[dreg:$0x1] =	wrdreg $0xFFFFFFFF  }
0xad: {  	[dreg:$0x0] =	wrdreg $0x60  }
0xae: {  	[dreg:$0x2] =	wrdreg s2  }
0xaf: {  	[dreg:$0x3] =	wrdreg s24  }
0xb0: {  	[dreg:$0x4] =	wrdreg $0x9  }
0xb1: {  	_ =	task.clear_ibuf [dreg:s7], $0x5FFFF;
	_ =	strace $0x90000046  }
0xb2: {  	s29 =	simm.s32 $0x9;
	_ =	strace $0x80000048  }
0xb3: {  	_ =	swait.ge [sflag:s29], $0x1  }
0xb4: {  	[sflag:s29] =	ssyncadd.s32 $0xFFFFFFFF  }
0xb5: {  	_ =	strace $0x90000048  }
0xb6: {  	_ =	sfence  }
0xb7: {  	s30 =	sld [smem:$0x0];
	_ =	sdelay $0x2  }
0xb8: {  	s31 =	sshll.u32 s1, $0xD;
	s1 =	sshrl.u32 s1, $0x2  }
0xb9: {  	s3 =	sand.u32 $0x4000, s31;
	s1 =	sadd.s32 s1, s30  }
0xba: {  	s0 =	sor.u32 s3, s0;
	s1 =	sshll.u32 s1, $0x11  }
0xbb: {  	s0 =	sor.u32 s1, s0  }
0xbc: {  	s0 =	sadd.s32 $0x8F2B, s0  }
0xbd: {  	[sflag:s0] =	ssyncadd.remote.s32 $0x1  }
0xbe: {  	_ =	sfence.sel $0xFFFF  }
0xbf: {  	[dreg:$0x0] =	wrdreg $0xFFFFFFFF;
	(pc) =	sbr.abs _section_cstart, $3  }
0xc0: {  	[dreg:$0x1] =	wrdreg $0xFFFFFFFF  }
0xc1: {  	_ =	task.clear_ibuf [dreg:s7], $0x2FFFF;
	_ =	strace $0x9FFFFFFF  }
0xc2: {  	(tm) =	ssettm $0x7FFFFFFF  }
0xc3: {  	_ =	shalt  }
tec
execute0_lowered:
.L_overlay_start_1:
0x0: {  	(tag) =	ssettag $0x1  }
0x1: {  	s0 =	rddreg [dreg:$0x0]  }
0x2: {  	s3 =	rddreg [dreg:$0x1]  }
0x3: {  	s2 =	simm.s32 $0x0;
	s4 =	srdreg.scid;
	s1 =	stileid.u32  }
0x4: {  	s17 =	simm.s32 $0x40;
	s18 =	simm.s32 $0x80;
	s19 =	simm.s32 $0xC0  }
0x5: {  	s20 =	simm.s32 $0x100;
	s21 =	simm.s32 $0x140;
	s28 =	simm.s32 $0x2C0  }
0x6: {  	s29 =	simm.s32 $0x300;
	s30 =	simm.s32 $0x340;
	s31 =	simm.s32 $0x380  }
0x7: {  	[smem:$0x7FF] =	sst s2;
	s4 =	sand.u32 $0x1, s4;
	s6 =	sshll.u32 s1, $0x4  }
0x8: {  	s14 =	sadd.s32 $0xC00, s3;
	s5 =	ssub.s32 $0x2, s4;
	s4 =	sshll.u32 s4, $0x3  }
0x9: {  	_ =	strace $0x80000047;
	s22 =	sshrl.u32 s5, $0x1;
	s7 =	sor.u32 s4, s6  }
0xa: {  	s15 =	ssub.s32 s5, s22;
	s23 =	sadd.s32 s0, s7;
	s8 =	sor.u32 $0x100, s7  }
0xb: {  	s9 =	sor.u32 $0x200, s7;
	s10 =	sor.u32 $0x300, s7;
	s11 =	sor.u32 $0x400, s7  }
0xc: {  	s12 =	sor.u32 $0x500, s7;
	s13 =	sor.u32 $0x600, s7;
	s16 =	sor.u32 $0x700, s7  }
0xd: {  	s7 =	sadd.s32 s14, s7;
	s22 =	simm.s32 $0x180;
	[dreg:$0x3] =	wrdreg s23  }
0xe: {  	s24 =	sadd.s32 s0, s8;
	s25 =	sadd.s32 s0, s9;
	s26 =	sadd.s32 s0, s10  }
0xf: {  	s3 =	sadd.s32 s0, s11;
	s4 =	sadd.s32 s0, s12;
	s5 =	sadd.s32 s0, s13  }
0x10: {  	s6 =	sadd.s32 s0, s16;
	s8 =	sadd.s32 s14, s8;
	s9 =	sadd.s32 s14, s9  }
0x11: {  	s10 =	sadd.s32 s14, s10;
	s11 =	sadd.s32 s14, s11;
	s12 =	sadd.s32 s14, s12  }
0x12: {  	s13 =	sadd.s32 s14, s13;
	s14 =	sadd.s32 s14, s16;
	[dreg:$0x4] =	wrdreg s24  }
0x13: {  	s15 =	smax.u32 s15, $0x1;
	s16 =	simm.s32 $0x1;
	[dreg:$0x5] =	wrdreg s25  }
0x14: {  	s23 =	simm.s32 $0x1C0;
	s0 =	simm.s32 $0x3C0;
	[dreg:$0x6] =	wrdreg s26  }
0x15: {  	v0 =	vimm.s32 $0x8;
	s24 =	simm.s32 $0x200;
	s25 =	simm.s32 $0x240;
	s26 =	simm.s32 $0x280  }
.LBB2_1:
0x16: {  	s1 =	rddreg [dreg:$0x3]  }
0x17: {  	[tilespmem:s2], [sflag:$0x1] =	stream.linear.gather [hbm4b:s1+s2], $0x40, $0x38;
	[tilespmem:$0x400] =	vst v63  }
0x18: {  	_ =	swait.ge [sflag:s16], $0x40  }
0x19: {  	[sflag:s16] =	ssyncset.done $0x0  }
0x1a: {  	s1 =	rddreg [dreg:$0x4];
	[sflag:s16] =	ssyncadd.s32 $0xFFFFFFC0  }
0x1b: {  	[tilespmem:s17], [sflag:$0x1] =	stream.linear.gather [hbm4b:s1+s2], $0x40, $0x38;
	[tilespmem:$0x400] =	vst v63  }
0x1c: {  	_ =	swait.ge [sflag:s16], $0x40  }
0x1d: {  	[sflag:s16] =	ssyncset.done $0x0  }
0x1e: {  	s1 =	rddreg [dreg:$0x5];
	[sflag:s16] =	ssyncadd.s32 $0xFFFFFFC0  }
0x1f: {  	[tilespmem:s18], [sflag:$0x1] =	stream.linear.gather [hbm4b:s1+s2], $0x40, $0x38;
	[tilespmem:$0x400] =	vst v63  }
0x20: {  	_ =	swait.ge [sflag:s16], $0x40  }
0x21: {  	[sflag:s16] =	ssyncset.done $0x0  }
0x22: {  	s1 =	rddreg [dreg:$0x6];
	[sflag:s16] =	ssyncadd.s32 $0xFFFFFFC0  }
0x23: {  	[tilespmem:s19], [sflag:$0x1] =	stream.linear.gather [hbm4b:s1+s2], $0x40, $0x38;
	[tilespmem:$0x400] =	vst v63  }
0x24: {  	_ =	swait.ge [sflag:s16], $0x40  }
0x25: {  	[sflag:s16] =	ssyncset.done $0x0  }
0x26: {  	[sflag:s16] =	ssyncadd.s32 $0xFFFFFFC0  }
0x27: {  	[tilespmem:s20], [sflag:$0x1] =	stream.linear.gather [hbm4b:s3+s2], $0x40, $0x38;
	[tilespmem:$0x400] =	vst v63  }
0x28: {  	_ =	swait.ge [sflag:s16], $0x40  }
0x29: {  	[sflag:s16] =	ssyncset.done $0x0  }
0x2a: {  	[sflag:s16] =	ssyncadd.s32 $0xFFFFFFC0  }
0x2b: {  	[tilespmem:s21], [sflag:$0x1] =	stream.linear.gather [hbm4b:s4+s2], $0x40, $0x38;
	[tilespmem:$0x400] =	vst v63  }
0x2c: {  	_ =	swait.ge [sflag:s16], $0x40  }
0x2d: {  	[sflag:s16] =	ssyncset.done $0x0  }
0x2e: {  	[sflag:s16] =	ssyncadd.s32 $0xFFFFFFC0  }
0x2f: {  	[tilespmem:s22], [sflag:$0x1] =	stream.linear.gather [hbm4b:s5+s2], $0x40, $0x38;
	[tilespmem:$0x400] =	vst v63  }
0x30: {  	_ =	swait.ge [sflag:s16], $0x40  }
0x31: {  	[sflag:s16] =	ssyncset.done $0x0  }
0x32: {  	[sflag:s16] =	ssyncadd.s32 $0xFFFFFFC0  }
0x33: {  	[tilespmem:s23], [sflag:$0x1] =	stream.linear.gather [hbm4b:s6+s2], $0x40, $0x38;
	[tilespmem:$0x400] =	vst v63  }
0x34: {  	_ =	swait.ge [sflag:s16], $0x40  }
0x35: {  	[sflag:s16] =	ssyncset.done $0x0  }
0x36: {  	[sflag:s16] =	ssyncadd.s32 $0xFFFFFFC0  }
0x37: {  	v1 =	vld [tilespmem:$0x0]  }
0x38: {  	v2 =	vld [tilespmem:$0x40]  }
0x39: {  	v3 =	vld [tilespmem:$0x80]  }
0x3a: {  	v4 =	vld [tilespmem:$0xC0]  }
0x3b: {  	v5 =	vld [tilespmem:$0x100]  }
0x3c: {  	v6 =	vld [tilespmem:$0x140]  }
0x3d: {  	v7 =	vld [tilespmem:$0x180];
	v8 =	vmax.f32 v1, v2  }
0x3e: {  	v9 =	vld [tilespmem:$0x1C0];
	v8 =	vmax.f32 v8, v3  }
0x3f: {  	v8 =	vmax.f32 v8, v4  }
0x40: {  	v8 =	vmax.f32 v8, v5  }
0x41: {  	v8 =	vmax.f32 v8, v6  }
0x42: {  	v8 =	vmax.f32 v8, v7  }
0x43: {  	v8 =	vmax.f32 v8, v9  }
0x44: {  	v1 =	vsub.f32 v1, v8  }
0x45: {  	v2 =	vsub.f32 v2, v8  }
0x46: {  	v3 =	vsub.f32 v3, v8;
	v1 =	vmul.f32 $1.442695020e+00, v1  }
0x47: {  	v4 =	vsub.f32 v4, v8;
	v2 =	vmul.f32 $1.442695020e+00, v2  }
0x48: {  	(erf) = vpow2.f32 v1;
	v1 =	vmul.f32 $1.442695020e+00, v3;
	v3 =	vsub.f32 v5, v8  }
0x49: {  	v58 =	vsub.f32 v6, v8;
	(erf) = vpow2.f32 v2;
	v2 =	vmul.f32 $1.442695020e+00, v4  }
0x4a: {  	(erf) = vpow2.f32 v1;
	v1 =	vmul.f32 $1.442695020e+00, v3;
	v3 =	vsub.f32 v7, v8  }
0x4b: {  	v59 =	vsub.f32 v9, v8;
	(erf) = vpow2.f32 v2;
	v2 =	vmul.f32 $1.442695020e+00, v58  }
0x4c: {  	(erf) = vpow2.f32 v1;
	v1 =	vmul.f32 $1.442695020e+00, v3  }
0x4d: {  	(erf) = vpow2.f32 v2;
	v2 =	vmul.f32 $1.442695020e+00, v59  }
0x4e: {  	(erf) = vpow2.f32 v1  }
0x4f: {  	(erf) = vpow2.f32 v2;
	_ =	sdelay $0x1  }
0x50: {  	v1 =	vpop (erf)  }
0x51: {  	v3 =	vpop (erf)  }
0x52: {  	v60 =	vpop (erf);
	v2 =	vmax.f32 v1, v3  }
0x53: {  	v61 =	vpop (erf);
	v2 =	vmax.f32 v2, v60  }
0x54: {  	v62 =	vpop (erf);
	v2 =	vmax.f32 v2, v61  }
0x55: {  	v63 =	vpop (erf);
	v2 =	vmax.f32 v2, v62  }
0x56: {  	v11 =	vld [tilespmem:$0x10];
	v24 =	vpop (erf);
	v2 =	vmax.f32 v2, v63  }
0x57: {  	v12 =	vld [tilespmem:$0x50];
	v25 =	vpop (erf);
	v2 =	vmax.f32 v2, v24  }
0x58: {  	v13 =	vld [tilespmem:$0x90];
	v2 =	vmax.f32 v2, v25  }
0x59: {  	v14 =	vld [tilespmem:$0xD0];
	vm0 =	veq.f32 v25, v2  }
0x5a: {  	v15 =	vld [tilespmem:$0x110];
	vm1 =	veq.f32 v24, v2;
	v10 =	vsel vm0, $0x7, v0  }
0x5b: {  	v17 =	vld [tilespmem:$0x150];
	vm6 =	veq.f32 v63, v2;
	v10 =	vsel vm1, $0x6, v10  }
0x5c: {  	v18 =	vld [tilespmem:$0x190];
	v26 =	vmax.f32 v11, v12;
	vm7 =	veq.f32 v62, v2;
	v10 =	vsel vm6, $0x5, v10  }
0x5d: {  	v4 =	vmax.f32 v26, v13;
	vm8 =	veq.f32 v61, v2;
	v10 =	vsel vm7, $0x4, v10  }
0x5e: {  	v4 =	vmax.f32 v4, v14;
	vm9 =	veq.f32 v60, v2;
	v10 =	vsel vm8, $0x3, v10  }
0x5f: {  	v4 =	vmax.f32 v4, v15;
	vm10 =	veq.f32 v3, v2;
	v10 =	vsel vm9, $0x2, v10  }
0x60: {  	v4 =	vmax.f32 v4, v17;
	vm15 =	vne.f32 v1, v2;
	v10 =	vsel vm10, $0x1, v10  }
0x61: {  	v4 =	vmax.f32 v4, v18;
	vm9 =	vmand vm15, vm10;
	v10 =	vnsel vm15, $0x0, v10  }
0x62: {  	v1 =	vnsel vm15, $0xFF800000, v1;
	v3 =	vsel vm9, $0xFF800000, v3;
	vm13 =	veq.s32 v10, $0x2  }
0x63: {  	v20 =	vld [tilespmem:$0x1D0];
	v19 =	vmax.f32 v1, v3;
	vm14 =	veq.s32 v10, $0x3;
	v16 =	vsel vm13, $0xFF800000, v60  }
0x64: {  	vm7 =	veq.s32 v10, $0x4;
	v5 =	vsel vm14, $0xFF800000, v61;
	v19 =	vmax.f32 v19, v16  }
0x65: {  	vm10 =	veq.s32 v10, $0x5;
	v6 =	vsel vm7, $0xFF800000, v62;
	v19 =	vmax.f32 v19, v5  }
0x66: {  	vm8 =	veq.s32 v10, $0x6;
	v7 =	vsel vm10, $0xFF800000, v63;
	v19 =	vmax.f32 v19, v6  }
0x67: {  	vm12 =	veq.s32 v10, $0x7;
	v8 =	vsel vm8, $0xFF800000, v24;
	v27 =	vmax.f32 v19, v7  }
0x68: {  	v28 =	vmax.f32 v4, v20;
	v9 =	vsel vm12, $0xFF800000, v25;
	v10 =	vmax.f32 v27, v8  }
0x69: {  	v29 =	vsub.f32 v11, v28;
	v4 =	vmax.f32 v10, v9  }
0x6a: {  	v12 =	vsub.f32 v12, v28;
	v30 =	vadd.f32 v4, v2  }
0x6b: {  	v13 =	vsub.f32 v13, v28;
	v10 =	vmul.f32 $1.442695020e+00, v29  }
0x6c: {  	v32 =	vsub.f32 v14, v28;
	v31 =	vmul.f32 $1.442695020e+00, v12;
	(erf) = vrcp.f32 v30  }
0x6d: {  	v34 =	vsub.f32 v15, v28;
	v33 =	vmul.f32 $1.442695020e+00, v13;
	(erf) = vpow2.f32 v10  }
0x6e: {  	v36 =	vsub.f32 v17, v28;
	v35 =	vmul.f32 $1.442695020e+00, v32;
	(erf) = vpow2.f32 v31  }
0x6f: {  	v38 =	vsub.f32 v18, v28;
	v37 =	vmul.f32 $1.442695020e+00, v34;
	(erf) = vpow2.f32 v33  }
0x70: {  	v40 =	vsub.f32 v20, v28;
	v39 =	vmul.f32 $1.442695020e+00, v36;
	(erf) = vpow2.f32 v35  }
0x71: {  	v55 =	vld [tilespmem:$0x20];
	v41 =	vmul.f32 $1.442695020e+00, v38;
	(erf) = vpow2.f32 v37  }
0x72: {  	v56 =	vld [tilespmem:$0x60];
	v42 =	vmul.f32 $1.442695020e+00, v40;
	(erf) = vpow2.f32 v39  }
0x73: {  	(erf) = vpow2.f32 v41  }
0x74: {  	(erf) = vpow2.f32 v42  }
0x75: {  	v43 =	vpop (erf)  }
0x76: {  	v58 =	vimm.s32 $0x0;
	v44 =	vpop (erf)  }
0x77: {  	v59 =	vmax.f32 v55, v56;
	vm2 =	veq.f32 v6, v4;
	vm6 =	veq.f32 v9, v4;
	v45 =	vpop (erf)  }
0x78: {  	vm4 =	veq.f32 v8, v4;
	v54 =	vsel vm6, $0x7, v0;
	v46 =	vpop (erf);
	v47 =	vmax.f32 v44, v45  }
0x79: {  	vm3 =	veq.f32 v7, v4;
	v6 =	vsel vm4, $0x6, v54;
	v48 =	vpop (erf);
	v11 =	vmax.f32 v47, v46  }
0x7a: {  	v27 =	vimm.s32 $0x0;
	v6 =	vsel vm3, $0x5, v6;
	v49 =	vpop (erf);
	v11 =	vmax.f32 v11, v48  }
0x7b: {  	vm1 =	veq.f32 v5, v4;
	v6 =	vsel vm2, $0x4, v6;
	v50 =	vpop (erf);
	v11 =	vmax.f32 v11, v49  }
0x7c: {  	vm0 =	veq.f32 v16, v4;
	v6 =	vsel vm1, $0x3, v6;
	v51 =	vpop (erf);
	v11 =	vmax.f32 v11, v50  }
0x7d: {  	vm1 =	veq.f32 v3, v4;
	v6 =	vsel vm0, $0x2, v6;
	v52 =	vpop (erf);
	v11 =	vmax.f32 v11, v51  }
0x7e: {  	vm0 =	vne.f32 v1, v4;
	v3 =	vsel vm1, $0x1, v6;
	v13 =	vmax.f32 v11, v52  }
0x7f: {  	v40 =	vnsel vm0, $0x0, v3;
	v31 =	vmul.f32 v43, v4;
	vm5 =	veq.f32 v52, v13  }
0x80: {  	v63 =	vmul.f32 v43, v2;
	vm11 =	veq.f32 v51, v13;
	v53 =	vsel vm5, $0x7, v0  }
0x81: {  	v1 =	vsel vm0, $0x0, v31;
	vm5 =	veq.f32 v50, v13;
	v5 =	vsel vm11, $0x6, v53  }
0x82: {  	vm0 =	vmand vm0, vm1;
	vm4 =	veq.f32 v49, v13;
	v5 =	vsel vm5, $0x5, v5  }
0x83: {  	v1 =	vsel vm15, v1, v63;
	vm11 =	veq.f32 v48, v13;
	v5 =	vsel vm4, $0x4, v5  }
0x84: {  	vm15 =	veq.s32 v40, $0x2;
	vm5 =	veq.f32 v46, v13;
	v5 =	vsel vm11, $0x3, v5  }
0x85: {  	v3 =	vnsel vm15, $0x0, v31;
	vm6 =	veq.f32 v45, v13;
	v5 =	vsel vm5, $0x2, v5  }
0x86: {  	vm15 =	veq.s32 v40, $0x3;
	vm11 =	vne.f32 v44, v13;
	v5 =	vsel vm6, $0x1, v5  }
0x87: {  	v57 =	vld [tilespmem:$0xA0];
	v3 =	vsel vm13, v63, v3;
	vm6 =	vmand vm11, vm6;
	v5 =	vnsel vm11, $0x0, v5  }
0x88: {  	v21 =	vld [tilespmem:$0xE0];
	v11 =	vnsel vm11, $0xFF800000, v44;
	v10 =	vsel vm6, $0xFF800000, v45;
	vm5 =	veq.s32 v5, $0x2  }
0x89: {  	v22 =	vld [tilespmem:$0x120];
	vm2 =	veq.s32 v5, $0x3;
	vm3 =	veq.s32 v5, $0x4;
	vm4 =	veq.s32 v5, $0x5  }
0x8a: {  	v23 =	vld [tilespmem:$0x160];
	v25 =	vmax.f32 v11, v10;
	v15 =	vsel vm5, $0xFF800000, v46;
	v17 =	vsel vm2, $0xFF800000, v48  }
0x8b: {  	v24 =	vld [tilespmem:$0x1A0];
	v18 =	vsel vm3, $0xFF800000, v49;
	v12 =	vsel vm4, $0xFFFFFFFF, v58;
	v19 =	vsel vm4, $0xFF800000, v50  }
0x8c: {  	v26 =	vld [tilespmem:$0x1E0];
	vm4 =	veq.s32 v5, $0x6;
	[tilespmem:$0x1FFC0] =	vst v12;
	v12 =	vmax.f32 v59, v57;
	v25 =	vmax.f32 v25, v15  }
0x8d: {  	v27 =	vsel vm4, $0xFFFFFFFF, v27;
	v12 =	vmax.f32 v12, v21;
	v25 =	vmax.f32 v25, v17  }
0x8e: {  	v20 =	vsel vm4, $0xFF800000, v51;
	v12 =	vmax.f32 v12, v22;
	v60 =	vmax.f32 v25, v18  }
0x8f: {  	vm4 =	veq.s32 v5, $0x7;
	v12 =	vmax.f32 v12, v23;
	v5 =	vmax.f32 v60, v19  }
0x90: {  	v16 =	vsel vm4, $0xFF800000, v52;
	v12 =	vmax.f32 v12, v24;
	v5 =	vmax.f32 v5, v20  }
0x91: {  	vm13 =	veq.s32 v40, $0x6;
	v61 =	vmax.f32 v12, v26;
	v12 =	vmax.f32 v5, v16  }
0x92: {  	v51 =	vnsel vm13, $0x0, v31;
	v62 =	vsub.f32 v55, v61;
	v2 =	vadd.f32 v12, v13  }
0x93: {  	v8 =	vsel vm8, v63, v51;
	v30 =	vsub.f32 v56, v61;
	v9 =	vsub.f32 v57, v61  }
0x94: {  	v32 =	vsub.f32 v21, v61;
	v34 =	vsub.f32 v22, v61;
	v56 =	vld [tilespmem:$0x30];
	v5 =	vmul.f32 $1.442695020e+00, v62  }
0x95: {  	v35 =	vsub.f32 v23, v61;
	v57 =	vld [tilespmem:$0x70];
	(erf) = vrcp.f32 v2;
	v2 =	vmul.f32 $1.442695020e+00, v30  }
0x96: {  	v59 =	vld [tilespmem:$0xB0];
	v37 =	vsub.f32 v24, v61;
	v33 =	vmul.f32 $1.442695020e+00, v9;
	(erf) = vpow2.f32 v5  }
0x97: {  	v29 =	vld [tilespmem:$0xF0];
	v38 =	vsub.f32 v26, v61;
	(erf) = vpow2.f32 v2;
	v2 =	vmul.f32 $1.442695020e+00, v32  }
0x98: {  	vm1 =	veq.f32 v17, v12;
	v61 =	vld [tilespmem:$0x130];
	v36 =	vmul.f32 $1.442695020e+00, v34;
	(erf) = vpow2.f32 v33  }
0x99: {  	vm8 =	veq.f32 v19, v12;
	v30 =	vld [tilespmem:$0x170];
	(erf) = vpow2.f32 v2;
	v2 =	vmul.f32 $1.442695020e+00, v35  }
0x9a: {  	v39 =	vmul.f32 $1.442695020e+00, v37;
	v32 =	vmax.f32 v56, v57;
	(erf) = vpow2.f32 v36  }
0x9b: {  	v32 =	vmax.f32 v32, v59;
	(erf) = vpow2.f32 v2;
	v2 =	vmul.f32 $1.442695020e+00, v38  }
0x9c: {  	v33 =	vimm.s32 $0x0;
	v32 =	vmax.f32 v32, v29;
	(erf) = vpow2.f32 v39  }
0x9d: {  	v35 =	vimm.s32 $0x0;
	v32 =	vmax.f32 v32, v61;
	(erf) = vpow2.f32 v2  }
0x9e: {  	v32 =	vmax.f32 v32, v30;
	v2 =	vnsel vm0, $0x0, v31;
	v41 =	vpop (erf);
	vm0 =	veq.f32 v15, v12  }
0x9f: {  	v5 =	vsel vm9, v63, v2;
	v2 =	vnsel vm15, $0x0, v31;
	vm15 =	veq.s32 v40, $0x4;
	v42 =	vpop (erf)  }
0xa0: {  	[tilespmem:$0x1FFD0] =	vst v27;
	vm9 =	veq.s32 v40, $0x5;
	v27 =	vmul.f32 v41, v12;
	v2 =	vsel vm14, v63, v2;
	v43 =	vpop (erf)  }
0xa1: {  	v44 =	vnsel vm15, $0x0, v31;
	v45 =	vnsel vm9, $0x0, v31;
	v46 =	vpop (erf);
	v47 =	vmax.f32 v42, v43  }
0xa2: {  	vm14 =	veq.s32 v40, $0x7;
	vm9 =	veq.f32 v20, v12;
	v48 =	vpop (erf);
	v25 =	vmax.f32 v47, v46  }
0xa3: {  	v4 =	vsel vm10, v63, v45;
	vm10 =	veq.f32 v16, v12;
	v49 =	vpop (erf);
	v50 =	vmax.f32 v25, v48  }
0xa4: {  	v52 =	vnsel vm14, $0x0, v31;
	v31 =	vld [tilespmem:$0x1B0];
	v16 =	vsel vm10, $0x7, v0;
	v28 =	vpop (erf);
	v9 =	vmax.f32 v50, v49  }
0xa5: {  	v6 =	vsel vm7, v63, v44;
	v16 =	vsel vm9, $0x6, v16;
	v53 =	vpop (erf);
	v9 =	vmax.f32 v9, v28  }
0xa6: {  	v34 =	vld [tilespmem:$0x1F0];
	vm7 =	veq.f32 v18, v12;
	v16 =	vsel vm8, $0x5, v16;
	v54 =	vpop (erf);
	v9 =	vmax.f32 v9, v53  }
0xa7: {  	v20 =	vmul.f32 v41, v13;
	v16 =	vsel vm7, $0x4, v16;
	v9 =	vmax.f32 v9, v54  }
0xa8: {  	v7 =	vsel vm12, v63, v52;
	v16 =	vsel vm1, $0x3, v16;
	vm12 =	veq.f32 v54, v9  }
0xa9: {  	v32 =	vmax.f32 v32, v31;
	vm15 =	veq.f32 v53, v9;
	v55 =	vsel vm12, $0x7, v0  }
0xaa: {  	v16 =	vsel vm0, $0x2, v16;
	vm13 =	veq.f32 v28, v9;
	v17 =	vsel vm15, $0x6, v55  }
0xab: {  	v32 =	vmax.f32 v32, v34;
	vm14 =	veq.f32 v49, v9;
	v17 =	vsel vm13, $0x5, v17  }
0xac: {  	v18 =	vsub.f32 v56, v32;
	vm15 =	veq.f32 v48, v9;
	v17 =	vsel vm14, $0x4, v17  }
0xad: {  	v19 =	vsub.f32 v57, v32;
	vm8 =	veq.f32 v46, v9;
	v17 =	vsel vm15, $0x3, v17  }
0xae: {  	vm9 =	veq.f32 v43, v9;
	vm15 =	vne.f32 v42, v9;
	v17 =	vsel vm8, $0x2, v17  }
0xaf: {  	v29 =	vsub.f32 v29, v32;
	vm12 =	vmand vm15, vm9;
	v58 =	vsel vm9, $0x1, v17  }
0xb0: {  	v13 =	vnsel vm15, $0xFF800000, v42;
	v21 =	vsel vm12, $0xFF800000, v43;
	v60 =	vnsel vm15, $0x0, v58  }
0xb1: {  	v62 =	vmax.f32 v13, v21;
	vm13 =	veq.s32 v60, $0x2;
	vm10 =	veq.s32 v60, $0x5  }
0xb2: {  	vm14 =	veq.s32 v60, $0x3;
	v24 =	vsel vm13, $0xFF800000, v46;
	v33 =	vsel vm10, $0xFFFFFFFF, v33  }
0xb3: {  	vm9 =	veq.s32 v60, $0x4;
	v23 =	vsel vm14, $0xFF800000, v48;
	[tilespmem:$0x1FFE0] =	vst v33;
	v33 =	vmax.f32 v62, v24  }
0xb4: {  	v37 =	vsub.f32 v61, v32;
	v26 =	vsel vm9, $0xFF800000, v49;
	v33 =	vmax.f32 v33, v23  }
0xb5: {  	vm7 =	veq.s32 v60, $0x6;
	v28 =	vsel vm10, $0xFF800000, v28;
	v33 =	vmax.f32 v33, v26  }
0xb6: {  	v25 =	vsel vm7, $0xFF800000, v53;
	vm10 =	veq.s32 v60, $0x7;
	v63 =	vmax.f32 v33, v28  }
0xb7: {  	v39 =	vsub.f32 v30, v32;
	v15 =	vsel vm10, $0xFF800000, v54;
	v14 =	vmax.f32 v63, v25  }
0xb8: {  	v41 =	vsub.f32 v31, v32;
	v18 =	vmul.f32 $1.442695020e+00, v18;
	v14 =	vmax.f32 v14, v15  }
0xb9: {  	v19 =	vmul.f32 $1.442695020e+00, v19;
	v38 =	vmul.f32 $1.442695020e+00, v29;
	v36 =	vadd.f32 v14, v9  }
0xba: {  	v40 =	vmul.f32 $1.442695020e+00, v37;
	vm8 =	vne.f32 v11, v12;
	v17 =	vsub.f32 v59, v32  }
0xbb: {  	v44 =	vmul.f32 $1.442695020e+00, v41;
	v11 =	vsel vm8, $0x0, v27;
	(erf) = vrcp.f32 v36  }
0xbc: {  	v43 =	vsub.f32 v34, v32;
	v17 =	vmul.f32 $1.442695020e+00, v17;
	(erf) = vpow2.f32 v18  }
0xbd: {  	v11 =	vsel vm11, v11, v20;
	vm11 =	veq.f32 v10, v12;
	(erf) = vpow2.f32 v19  }
0xbe: {  	v57 =	vld [tilespmem:$0x1FFC0];
	v42 =	vmul.f32 $1.442695020e+00, v39;
	v10 =	vsel vm11, $0x1, v16;
	(erf) = vpow2.f32 v17  }
0xbf: {  	v45 =	vmul.f32 $1.442695020e+00, v43;
	vm0 =	vmand vm8, vm11;
	(erf) = vpow2.f32 v38  }
0xc0: {  	v35 =	vsel vm7, $0xFFFFFFFF, v35;
	v10 =	vnsel vm8, $0x0, v10;
	(erf) = vpow2.f32 v40  }
0xc1: {  	v46 =	vnsel vm0, $0x0, v27;
	vm7 =	veq.s32 v10, $0x2;
	(erf) = vpow2.f32 v42  }
0xc2: {  	v16 =	vsel vm6, v20, v46;
	vm8 =	veq.s32 v10, $0x3;
	(erf) = vpow2.f32 v44  }
0xc3: {  	vm11 =	veq.s32 v10, $0x4;
	vm6 =	vnez.u8 v57;
	(erf) = vpow2.f32 v45  }
0xc4: {  	v48 =	vnsel vm7, $0x0, v27;
	v50 =	vnsel vm8, $0x0, v27;
	v52 =	vnsel vm11, $0x0, v27;
	v47 =	vpop (erf)  }
0xc5: {  	vm7 =	veq.s32 v10, $0x6;
	vm8 =	veq.s32 v10, $0x7;
	v29 =	vsel vm3, v20, v52;
	v49 =	vpop (erf)  }
0xc6: {  	v59 =	vnsel vm7, $0x0, v27;
	vm1 =	veq.f32 v24, v14;
	vm0 =	veq.f32 v15, v14;
	v51 =	vpop (erf)  }
0xc7: {  	vm3 =	veq.f32 v28, v14;
	v15 =	vsel vm0, $0x7, v0;
	v36 =	vld [tilespmem:$0x1FFD0];
	v53 =	vpop (erf);
	v55 =	vmax.f32 v49, v51  }
0xc8: {  	v19 =	vsel vm2, v20, v50;
	vm2 =	veq.f32 v23, v14;
	v56 =	vpop (erf);
	v32 =	vmax.f32 v55, v53  }
0xc9: {  	v17 =	vsel vm5, v20, v48;
	vm5 =	veq.s32 v10, $0x5;
	v58 =	vpop (erf);
	v60 =	vmax.f32 v32, v56  }
0xca: {  	v54 =	vnsel vm5, $0x0, v27;
	v27 =	vnsel vm8, $0x0, v27;
	v61 =	vpop (erf);
	v10 =	vmax.f32 v60, v58  }
0xcb: {  	vm8 =	veq.f32 v25, v14;
	v31 =	vsel vm6, v20, v54;
	v62 =	vpop (erf);
	v10 =	vmax.f32 v10, v61  }
0xcc: {  	vm11 =	vnez.u8 v36;
	vm6 =	veq.f32 v21, v14;
	v63 =	vpop (erf);
	v10 =	vmax.f32 v10, v62  }
0xcd: {  	[tilespmem:$0x1FFF0] =	vst v35;
	v15 =	vsel vm8, $0x6, v15;
	v35 =	vsel vm11, v20, v59;
	v10 =	vmax.f32 v10, v63  }
0xce: {  	v20 =	vsel vm4, v20, v27;
	v15 =	vsel vm3, $0x5, v15;
	vm11 =	veq.f32 v63, v10  }
0xcf: {  	v37 =	vmul.f32 v47, v14;
	vm0 =	veq.f32 v62, v10;
	v28 =	vsel vm11, $0x7, v0  }
0xd0: {  	v9 =	vmul.f32 v47, v9;
	vm8 =	veq.f32 v61, v10;
	v23 =	vsel vm0, $0x6, v28  }
0xd1: {  	vm11 =	veq.f32 v26, v14;
	v23 =	vsel vm8, $0x5, v23;
	vm8 =	veq.f32 v58, v10  }
0xd2: {  	v15 =	vsel vm11, $0x4, v15;
	vm11 =	veq.f32 v56, v10;
	v23 =	vsel vm8, $0x4, v23  }
0xd3: {  	vm4 =	vne.f32 v49, v10;
	vm8 =	veq.f32 v53, v10;
	v23 =	vsel vm11, $0x3, v23  }
0xd4: {  	[tilespmem:$0x200] =	vst v1;
	v1 =	vnsel vm4, $0xFF800000, v49;
	vm11 =	veq.f32 v51, v10;
	v23 =	vsel vm8, $0x2, v23  }
0xd5: {  	vm0 =	vne.f32 v13, v14;
	v15 =	vsel vm2, $0x3, v15;
	v23 =	vsel vm11, $0x1, v23  }
0xd6: {  	v13 =	vsel vm0, $0x0, v37;
	vm5 =	vmand vm4, vm11;
	v23 =	vnsel vm4, $0x0, v23  }
0xd7: {  	v15 =	vsel vm1, $0x2, v15;
	v38 =	vsel vm5, $0xFF800000, v51;
	vm1 =	veq.s32 v23, $0x2  }
0xd8: {  	[tilespmem:$0x280] =	vst v3;
	v22 =	vmax.f32 v1, v38;
	vm7 =	veq.s32 v23, $0x3;
	v39 =	vsel vm1, $0xFF800000, v53  }
0xd9: {  	[tilespmem:$0x380] =	vst v8;
	vm8 =	veq.s32 v23, $0x4;
	v3 =	vsel vm7, $0xFF800000, v56;
	v22 =	vmax.f32 v22, v39  }
0xda: {  	[tilespmem:$0x2C0] =	vst v2;
	vm2 =	veq.s32 v23, $0x5;
	v2 =	vsel vm8, $0xFF800000, v58;
	v22 =	vmax.f32 v22, v3  }
0xdb: {  	[tilespmem:$0x240] =	vst v5;
	vm3 =	veq.s32 v23, $0x6;
	v40 =	vsel vm2, $0xFF800000, v61;
	v22 =	vmax.f32 v22, v2  }
0xdc: {  	[tilespmem:$0x300] =	vst v6;
	vm11 =	veq.s32 v23, $0x7;
	v41 =	vsel vm3, $0xFF800000, v62;
	v22 =	vmax.f32 v22, v40  }
0xdd: {  	[tilespmem:$0x340] =	vst v4;
	v15 =	vsel vm6, $0x1, v15;
	v42 =	vsel vm11, $0xFF800000, v63;
	v43 =	vmax.f32 v22, v41  }
0xde: {  	[tilespmem:$0x3C0] =	vst v7;
	v44 =	vnsel vm0, $0x0, v15;
	vm0 =	vmand vm0, vm6;
	v45 =	vmax.f32 v43, v42  }
0xdf: {  	[tilespmem:$0x210] =	vst v11;
	v13 =	vsel vm15, v13, v9;
	v47 =	vnsel vm0, $0x0, v37;
	v46 =	vadd.f32 v45, v10  }
0xe0: {  	[tilespmem:$0x250] =	vst v16;
	vm15 =	veq.s32 v44, $0x2;
	vm6 =	veq.s32 v44, $0x3;
	vm0 =	veq.s32 v44, $0x4  }
0xe1: {  	[tilespmem:$0x310] =	vst v29;
	v48 =	vnsel vm15, $0x0, v37;
	v14 =	vsel vm12, v9, v47;
	(erf) = vrcp.f32 v46  }
0xe2: {  	[tilespmem:$0x2D0] =	vst v19;
	v49 =	vnsel vm6, $0x0, v37;
	vm6 =	veq.s32 v44, $0x5;
	vm12 =	veq.s32 v44, $0x6  }
0xe3: {  	[tilespmem:$0x290] =	vst v17;
	v54 =	vld [tilespmem:$0x1FFF0];
	v50 =	vnsel vm0, $0x0, v37;
	v11 =	vsel vm13, v9, v48;
	vm13 =	veq.s32 v44, $0x7  }
0xe4: {  	[tilespmem:$0x350] =	vst v31;
	v15 =	vsel vm14, v9, v49;
	v51 =	vnsel vm6, $0x0, v37;
	v53 =	vld [tilespmem:$0x1FFE0];
	v55 =	vnsel vm13, $0x0, v37  }
0xe5: {  	[tilespmem:$0x390] =	vst v35;
	v7 =	vsel vm10, v9, v55;
	vm0 =	veq.f32 v3, v45;
	vm14 =	veq.f32 v42, v45  }
0xe6: {  	[tilespmem:$0x3D0] =	vst v20;
	v3 =	vsel vm9, v9, v50;
	vm6 =	veq.f32 v41, v45;
	v52 =	vsel vm14, $0x7, v0  }
0xe7: {  	[tilespmem:$0x220] =	vst v13;
	vm9 =	veq.f32 v40, v45;
	vm15 =	veq.f32 v2, v45;
	v4 =	vsel vm6, $0x6, v52  }
0xe8: {  	[tilespmem:$0x260] =	vst v14;
	v2 =	vnsel vm12, $0x0, v37;
	vm12 =	vnez.u8 v54;
	v4 =	vsel vm9, $0x5, v4  }
0xe9: {  	[tilespmem:$0x2A0] =	vst v11;
	vm13 =	veq.f32 v39, v45;
	vm14 =	vnez.u8 v53;
	v4 =	vsel vm15, $0x4, v4  }
0xea: {  	[tilespmem:$0x2E0] =	vst v15;
	v2 =	vsel vm12, v9, v2;
	v6 =	vsel vm14, v9, v51;
	v4 =	vsel vm0, $0x3, v4;
	v56 =	vpop (erf)  }
0xeb: {  	[tilespmem:$0x320] =	vst v3;
	vm14 =	veq.f32 v38, v45;
	v3 =	vsel vm13, $0x2, v4;
	v57 =	vmul.f32 v56, v45  }
0xec: {  	[tilespmem:$0x3E0] =	vst v7;
	vm15 =	vne.f32 v1, v45;
	v1 =	vsel vm14, $0x1, v3;
	v3 =	vmul.f32 v56, v10  }
0xed: {  	[tilespmem:$0x3A0] =	vst v2;
	vm0 =	vmand vm15, vm14;
	v1 =	vnsel vm15, $0x0, v1;
	v2 =	vsel vm15, $0x0, v57  }
0xee: {  	[tilespmem:$0x360] =	vst v6;
	vm9 =	veq.s32 v1, $0x2;
	v58 =	vnsel vm0, $0x0, v57;
	v2 =	vsel vm4, v2, v3  }
0xef: {  	vm10 =	veq.s32 v1, $0x3;
	v59 =	vnsel vm9, $0x0, v57;
	[tilespmem:$0x230] =	vst v2;
	v2 =	vsel vm5, v3, v58  }
0xf0: {  	vm12 =	veq.s32 v1, $0x4;
	v60 =	vnsel vm10, $0x0, v57;
	[tilespmem:$0x270] =	vst v2;
	v2 =	vsel vm1, v3, v59  }
0xf1: {  	vm13 =	veq.s32 v1, $0x5;
	v61 =	vnsel vm12, $0x0, v57;
	[tilespmem:$0x2B0] =	vst v2;
	v2 =	vsel vm7, v3, v60  }
0xf2: {  	vm14 =	veq.s32 v1, $0x6;
	v62 =	vnsel vm13, $0x0, v57;
	[tilespmem:$0x2F0] =	vst v2;
	v2 =	vsel vm8, v3, v61  }
0xf3: {  	v63 =	vnsel vm14, $0x0, v57;
	vm15 =	veq.s32 v1, $0x7;
	[tilespmem:$0x330] =	vst v2;
	v2 =	vsel vm2, v3, v62  }
0xf4: {  	v1 =	vsel vm3, v3, v63;
	[tilespmem:$0x370] =	vst v2;
	v2 =	vnsel vm15, $0x0, v57  }
0xf5: {  	[tilespmem:$0x3B0] =	vst v1;
	v1 =	vsel vm11, v3, v2  }
0xf6: {  	[tilespmem:$0x3F0] =	vst v1  }
0xf7: {  	[hbm4b:s7+s2] =	stream.linear.scatter [tilespmem:s24], [sflag:$0x1], $0x40, $0x38;
	[tilespmem:$0x400] =	vst v63  }
0xf8: {  	_ =	swait.ge [sflag:s16], $0x40  }
0xf9: {  	[sflag:s16] =	ssyncset.done $0x0  }
0xfa: {  	[sflag:s16] =	ssyncadd.s32 $0xFFFFFFC0  }
0xfb: {  	[hbm4b:s8+s2] =	stream.linear.scatter [tilespmem:s25], [sflag:$0x1], $0x40, $0x38;
	[tilespmem:$0x400] =	vst v63  }
0xfc: {  	_ =	swait.ge [sflag:s16], $0x40  }
0xfd: {  	[sflag:s16] =	ssyncset.done $0x0  }
0xfe: {  	[sflag:s16] =	ssyncadd.s32 $0xFFFFFFC0  }
0xff: {  	[hbm4b:s9+s2] =	stream.linear.scatter [tilespmem:s26], [sflag:$0x1], $0x40, $0x38;
	[tilespmem:$0x400] =	vst v63  }
0x100: {  	_ =	swait.ge [sflag:s16], $0x40  }
0x101: {  	[sflag:s16] =	ssyncset.done $0x0  }
0x102: {  	[sflag:s16] =	ssyncadd.s32 $0xFFFFFFC0  }
0x103: {  	[hbm4b:s10+s2] =	stream.linear.scatter [tilespmem:s28], [sflag:$0x1], $0x40, $0x38;
	[tilespmem:$0x400] =	vst v63  }
0x104: {  	_ =	swait.ge [sflag:s16], $0x40  }
0x105: {  	[sflag:s16] =	ssyncset.done $0x0  }
0x106: {  	[sflag:s16] =	ssyncadd.s32 $0xFFFFFFC0  }
0x107: {  	[hbm4b:s11+s2] =	stream.linear.scatter [tilespmem:s29], [sflag:$0x1], $0x40, $0x38;
	[tilespmem:$0x400] =	vst v63  }
0x108: {  	_ =	swait.ge [sflag:s16], $0x40  }
0x109: {  	[sflag:s16] =	ssyncset.done $0x0  }
0x10a: {  	[sflag:s16] =	ssyncadd.s32 $0xFFFFFFC0  }
0x10b: {  	[hbm4b:s12+s2] =	stream.linear.scatter [tilespmem:s30], [sflag:$0x1], $0x40, $0x38;
	[tilespmem:$0x400] =	vst v63  }
0x10c: {  	_ =	swait.ge [sflag:s16], $0x40  }
0x10d: {  	[sflag:s16] =	ssyncset.done $0x0  }
0x10e: {  	[sflag:s16] =	ssyncadd.s32 $0xFFFFFFC0  }
0x10f: {  	[hbm4b:s13+s2] =	stream.linear.scatter [tilespmem:s31], [sflag:$0x1], $0x40, $0x38;
	[tilespmem:$0x400] =	vst v63  }
0x110: {  	_ =	swait.ge [sflag:s16], $0x40  }
0x111: {  	p0 =	sne.s32 s15, $0x1;
	[sflag:s16] =	ssyncset.done $0x0  }
.Ltmp0:
0x112: {  	[sflag:s16] =	ssyncadd.s32 $0xFFFFFFC0;
	(pc) =	sbr.rel @p0 .LBB2_1-.Ltmp0, $4  }
0x113: {  	[hbm4b:s14+s2] =	stream.linear.scatter [tilespmem:s0], [sflag:$0x1], $0x40, $0x38;
	[tilespmem:$0x400] =	vst v63  }
0x114: {  	_ =	swait.ge [sflag:s16], $0x40  }
0x115: {  	[sflag:s16] =	ssyncset.done $0x0  }
0x116: {  	s15 =	sadd.s32 $0xFFFFFFFF, s15;
	[sflag:s16] =	ssyncadd.s32 $0xFFFFFFC0  }
0x117: {  	_ =	sfence.sel $0x180000  }
0x118: {  	[bflag:$0x0] =	sbarrier.arrive $0xFFFF  }
0x119: {  	_ =	strace $0x90000047  }
0x11a: {  	s0 =	stileid.u32;
	[bflag:$0x2] =	sbarrier.arrive $0xFFFF  }
0x11b: {  	p0 =	sne.s32 s0, $0x0;
	s0 =	rddreg [dreg:$0x2]  }
0x11c: {  	s0 =	sadd.s32 @!p0 $0x100000, s0  }
0x11d: {  	[sflag:s0] =	ssyncadd.tile.s32 @!p0 $0x1;
	_ =	shalt  }
.Lfunc_end2:
_tile_overlayer_lowered:
.L_overlay_start_2:
0x11e: {  	(tag) =	ssettag $0x2  }
0x11f: {  	s0 =	rddreg [dreg:$0x0];
	s2 =	stileid.u32  }
0x120: {  	s1 =	rddreg [dreg:$0x1];
	p0 =	sne.s32 s2, $0x0  }
0x121: {  	s3 =	rddreg [dreg:$0x2];
	[bflag:$0x3] =	sbarrier.arrive $0xFFFF;
	s2 =	simm.s32 @!p0 $0x1C01  }
0x122: {  	[timem:s3], [sflag:s2] =	dma.local @!p0 [hbm:s0], s1  }
0x123: {  	s0 =	simm.s32 @!p0 $0x1  }
0x124: {  	_ =	swait.ge @!p0 [sflag:s0], s1  }
0x125: {  	s1 =	ssub.s32 @!p0 $0x0, s1;
	[sflag:s0] =	ssyncset.done @!p0 $0x0  }
0x126: {  	[sflag:s0] =	ssyncadd.s32 @!p0 s1  }
0x127: {  	[bflag:$0x3] =	sbarrier.arrive $0xFFFF  }
0x128: {  	_ =	shalt  }

</sc_bundles>
